<compile_context>
chip_gen: v7x
topology: tpu7x:2x2x1
jax: 0.10.2.dev20260603
libtpu: 0.0.44.dev20260713+nightly
codegen_flags: <defaults>
</compile_context>

<pallas_src>
import functools

import jax
import jax.numpy as jnp
from jax import lax
from jax.experimental import pallas as pl
from jax.experimental.pallas import tpu as pltpu
from jax.experimental.pallas import tpu_sc as plsc

VOCAB_LOCAL = 100000
N_EMBD = 1024
NUM_TOKENS = 8192

NUM_CORES = 2
NUM_SUBCORES = 16
LANES = 16
NUM_WORKERS = NUM_CORES * NUM_SUBCORES
TOKENS_PER_WORKER = NUM_TOKENS // NUM_WORKERS
CHUNK = 16
HALF = CHUNK // 2
NUM_CHUNKS = TOKENS_PER_WORKER // CHUNK
NBUF = 4


@functools.partial(
    pl.kernel,
    mesh=plsc.VectorSubcoreMesh(core_axis_name="c", subcore_axis_name="s"),
    out_type=jax.ShapeDtypeStruct((NUM_TOKENS, N_EMBD), jnp.float32),
    scratch_types=[
        pltpu.VMEM((TOKENS_PER_WORKER,), jnp.int32),
        pltpu.VMEM((CHUNK, N_EMBD), jnp.float32),
        pltpu.VMEM((CHUNK, N_EMBD), jnp.float32),
        pltpu.VMEM((CHUNK, N_EMBD), jnp.float32),
        pltpu.VMEM((CHUNK, N_EMBD), jnp.float32),
        pltpu.SemaphoreType.DMA,
        pltpu.SemaphoreType.DMA,
        pltpu.SemaphoreType.DMA,
        pltpu.SemaphoreType.DMA,
        pltpu.SemaphoreType.DMA,
        pltpu.SemaphoreType.DMA,
        pltpu.SemaphoreType.DMA,
        pltpu.SemaphoreType.DMA,
        pltpu.SemaphoreType.DMA,
    ],
)
def _emb_double(table_hbm, x_hbm, out_hbm, idx_v, b0, b1, b2, b3,
                g0, g1, g2, g3, s0, s1, s2, s3, isem):
    bufs = (b0, b1, b2, b3)
    gsems = (g0, g1, g2, g3)
    ssems = (s0, s1, s2, s3)

    wid = lax.axis_index("s") * NUM_CORES + lax.axis_index("c")
    row_base = wid * TOKENS_PER_WORKER

    def gather_copy(k, b):
        return pltpu.make_async_copy(
            table_hbm.at[idx_v.at[pl.ds(k * CHUNK, CHUNK)]], bufs[b], gsems[b])

    def chunk_scatter_wait(b):
        pltpu.make_async_copy(
            bufs[b], out_hbm.at[pl.ds(row_base, CHUNK)], ssems[b]).wait()

    def start_scatter_half(k, b, h):
        return pltpu.async_copy(
            bufs[b].at[pl.ds(h * HALF, HALF)],
            out_hbm.at[pl.ds(row_base + k * CHUNK + h * HALF, HALF)],
            ssems[b])

    def double_half(b, h):
        buf = bufs[b]
        eighth_cols = N_EMBD // 8

        def group_body(g, carry):
            r = g >> 3
            cbase = (g & 7) * eighth_cols
            for j in range(eighth_cols // LANES):
                v = buf[r, pl.ds(cbase + j * LANES, LANES)]
                buf[r, pl.ds(cbase + j * LANES, LANES)] = v + v
            return carry

        lax.fori_loop(8 * h * HALF, 8 * (h + 1) * HALF, group_body, 0)

    pltpu.sync_copy(x_hbm.at[pl.ds(row_base, CHUNK)],
                    idx_v.at[pl.ds(0, CHUNK)])
    gather_copy(0, 0).start()
    pltpu.async_copy(
        x_hbm.at[pl.ds(row_base + CHUNK, TOKENS_PER_WORKER - CHUNK)],
        idx_v.at[pl.ds(CHUNK, TOKENS_PER_WORKER - CHUNK)], isem).wait()
    for b in range(1, NBUF - 1):
        gather_copy(b, b).start()

    def outer(i, carry):
        kbase = i * NBUF
        for b in range(NBUF):
            k = kbase + b
            bp = (b - 1) % NBUF

            @pl.when(k + NBUF - 1 < NUM_CHUNKS)
            def _():
                @pl.when(k >= 1)
                def _():
                    chunk_scatter_wait(bp)
                gather_copy(k + NBUF - 1, bp).start()

            gather_copy(k, b).wait()
            for h in range(CHUNK // HALF):
                double_half(b, h)
                start_scatter_half(k, b, h)

        return carry

    lax.fori_loop(0, NUM_CHUNKS // NBUF, outer, 0)

    for b in range(NBUF):
        chunk_scatter_wait(b)


def kernel(x, emb_weight):
    return _emb_double(emb_weight, x.astype(jnp.int32))

# --- scband reference (transcript-rebuilt; emitter-appended) ---
"""Pipeline reference for scband-block-11974368821632 (READ-ONLY COPY).

The authoritative reference and input builder live on the scoring server;
editing this copy changes nothing except your own understanding.
"""

import jax, jax.numpy as jnp
import numpy as np

VOCAB_LOCAL = 100000  # vocab_size // num_tensor_parallel_workers
N_EMBD = 1024
NUM_TOKENS = 8192


def setup_inputs(seed: int = 0) -> dict:
    key = jax.random.key(seed)
    k_idx, k_emb = jax.random.split(key)
    x = jax.random.randint(k_idx, (NUM_TOKENS,), 0, VOCAB_LOCAL, dtype=jnp.int64 if jax.config.jax_enable_x64 else jnp.int32)
    emb_weight = jax.random.normal(k_emb, (VOCAB_LOCAL, N_EMBD), dtype=jnp.float32) * 0.02
    return {"x": x, "emb_weight": emb_weight}


def reference(x, emb_weight):
    # Block.forward: x = self.emb(x); x1 = x.clone(); x = x + x1
    h = jnp.take(emb_weight, x, axis=0)
    return h + h

if __name__ == "__main__":
    import jax
    _d = setup_inputs()
    print(jax.jit(kernel)(*tuple(_d.values())))

</pallas_src>

<mosaic_0001>
#map = affine_map<(d0, d1) -> (0, 0)>
#map1 = affine_map<(d0, d1) -> (0)>
module attributes {stable_mosaic.version = 14 : i64} {
  func.func @_emb_double(%arg0: i32, %arg1: i32, %arg2: memref<100000x1024xf32, #tpu.memory_space<hbm>>, %arg3: memref<8192xi32, #tpu.memory_space<hbm>>, %arg4: memref<8192x1024xf32, #tpu.memory_space<hbm>>, %arg5: memref<256xi32, #tpu.memory_space<vmem>>, %arg6: memref<16x1024xf32, #tpu.memory_space<vmem>>, %arg7: memref<16x1024xf32, #tpu.memory_space<vmem>>, %arg8: memref<16x1024xf32, #tpu.memory_space<vmem>>, %arg9: memref<16x1024xf32, #tpu.memory_space<vmem>>, %arg10: memref<!tpu.dma_semaphore, #tpu.memory_space<semaphore_mem>>, %arg11: memref<!tpu.dma_semaphore, #tpu.memory_space<semaphore_mem>>, %arg12: memref<!tpu.dma_semaphore, #tpu.memory_space<semaphore_mem>>, %arg13: memref<!tpu.dma_semaphore, #tpu.memory_space<semaphore_mem>>, %arg14: memref<!tpu.dma_semaphore, #tpu.memory_space<semaphore_mem>>, %arg15: memref<!tpu.dma_semaphore, #tpu.memory_space<semaphore_mem>>, %arg16: memref<!tpu.dma_semaphore, #tpu.memory_space<semaphore_mem>>, %arg17: memref<!tpu.dma_semaphore, #tpu.memory_space<semaphore_mem>>, %arg18: memref<!tpu.dma_semaphore, #tpu.memory_space<semaphore_mem>>) attributes {dimension_semantics = [#tpu.dimension_semantics<core_parallel>, #tpu.dimension_semantics<subcore_parallel>], iteration_bounds = array<i64: 2, 16>, scalar_prefetch = 0 : i64, scratch_operands = 14 : i64, tpu.core_type = #tpu.core_type<sc_vector_subcore>, window_params = [{transform_indices = #map}, {transform_indices = #map1}, {transform_indices = #map}]} {
    %mul3A = arith.constant 2 : i32
    %mul3A_0 = arith.muli %arg1, %mul3A : i32
    %add3A = arith.addi %mul3A_0, %arg0 : i32
    %mul3A_1 = arith.constant 256 : i32
    %mul3A_2 = arith.muli %add3A, %mul3A_1 : i32
    "tpu.region"() ({
      %run_scoped3A = tpu.sem_alloc : memref<!tpu.dma_semaphore, #tpu.memory_space<semaphore_mem>>
      %dma_start3A_51 = arith.constant 0 : i32
      %dma_start3A_52 = tpu.memref_slice %arg5[%dma_start3A_51] : memref<256xi32, #tpu.memory_space<vmem>> -> memref<16xi32, #tpu.memory_space<vmem>>
      %dma_start3A_53 = tpu.memref_slice %arg3[%mul3A_2] : memref<8192xi32, #tpu.memory_space<hbm>> -> memref<16xi32, #tpu.memory_space<hbm>>
      %dma_start3A_54 = arith.constant 0 : i32
      %dma_start3A_55 = tpu.memref_slice %arg5[%dma_start3A_54] : memref<256xi32, #tpu.memory_space<vmem>> -> memref<16xi32, #tpu.memory_space<vmem>>
      %dma_start3A_56 = tpu.memref_slice %arg3[%mul3A_2] : memref<8192xi32, #tpu.memory_space<hbm>> -> memref<16xi32, #tpu.memory_space<hbm>>
      tpu.enqueue_dma source(%dma_start3A_56 : memref<16xi32, #tpu.memory_space<hbm>>) target(%dma_start3A_55 : memref<16xi32, #tpu.memory_space<vmem>>) target_semaphore(%run_scoped3A : memref<!tpu.dma_semaphore, #tpu.memory_space<semaphore_mem>>)
      %dma_wait3A_57 = arith.constant 0 : i32
      %dma_wait3A_58 = tpu.memref_slice %arg5[%dma_wait3A_57] : memref<256xi32, #tpu.memory_space<vmem>> -> memref<16xi32, #tpu.memory_space<vmem>>
      %dma_wait3A_59 = tpu.memref_slice %arg3[%mul3A_2] : memref<8192xi32, #tpu.memory_space<hbm>> -> memref<16xi32, #tpu.memory_space<hbm>>
      %dma_wait3A_60 = arith.constant 0 : i32
      %dma_wait3A_61 = tpu.memref_slice %arg5[%dma_wait3A_60] : memref<256xi32, #tpu.memory_space<vmem>> -> memref<16xi32, #tpu.memory_space<vmem>>
      %dma_wait3A_62 = tpu.memref_slice %arg3[%mul3A_2] : memref<8192xi32, #tpu.memory_space<hbm>> -> memref<16xi32, #tpu.memory_space<hbm>>
      tpu.wait_dma2 semaphore(%run_scoped3A : memref<!tpu.dma_semaphore, #tpu.memory_space<semaphore_mem>>) src(%dma_wait3A_62 : memref<16xi32, #tpu.memory_space<hbm>>) dst(%dma_wait3A_61 : memref<16xi32, #tpu.memory_space<vmem>>)
      tpu.yield
    }) : () -> ()
    %dma_start3A = arith.constant 0 : i32
    %dma_start3A_3 = tpu.memref_slice %arg5[%dma_start3A] : memref<256xi32, #tpu.memory_space<vmem>> -> memref<16xi32, #tpu.memory_space<vmem>>
    %dma_start3A_4 = arith.constant 0 : i32
    %dma_start3A_5 = arith.constant 0 : i32
    %dma_start3A_6 = tpu.memref_slice %arg2[%dma_start3A_4, %dma_start3A_5] : memref<100000x1024xf32, #tpu.memory_space<hbm>> -> memref<100000x1024xf32, #tpu.memory_space<hbm>>
    tpu.enqueue_indirect_dma source(%dma_start3A_6 : memref<100000x1024xf32, #tpu.memory_space<hbm>>) target(%arg6 : memref<16x1024xf32, #tpu.memory_space<vmem>>) offsets(%dma_start3A_3 : memref<16xi32, #tpu.memory_space<vmem>>) semaphore(%arg10 : memref<!tpu.dma_semaphore, #tpu.memory_space<semaphore_mem>>)
    %add3A_7 = arith.constant 16 : i32
    %add3A_8 = arith.addi %mul3A_2, %add3A_7 : i32
    %dma_start3A_9 = arith.constant 16 : i32
    %dma_start3A_10 = tpu.memref_slice %arg5[%dma_start3A_9] : memref<256xi32, #tpu.memory_space<vmem>> -> memref<240xi32, #tpu.memory_space<vmem>>
    %dma_start3A_11 = tpu.memref_slice %arg3[%add3A_8] : memref<8192xi32, #tpu.memory_space<hbm>> -> memref<240xi32, #tpu.memory_space<hbm>>
    %dma_start3A_12 = arith.constant 16 : i32
    %dma_start3A_13 = tpu.memref_slice %arg5[%dma_start3A_12] : memref<256xi32, #tpu.memory_space<vmem>> -> memref<240xi32, #tpu.memory_space<vmem>>
    %dma_start3A_14 = tpu.memref_slice %arg3[%add3A_8] : memref<8192xi32, #tpu.memory_space<hbm>> -> memref<240xi32, #tpu.memory_space<hbm>>
    tpu.enqueue_dma source(%dma_start3A_14 : memref<240xi32, #tpu.memory_space<hbm>>) target(%dma_start3A_13 : memref<240xi32, #tpu.memory_space<vmem>>) target_semaphore(%arg18 : memref<!tpu.dma_semaphore, #tpu.memory_space<semaphore_mem>>)
    %dma_wait3A = arith.constant 16 : i32
    %dma_wait3A_15 = tpu.memref_slice %arg5[%dma_wait3A] : memref<256xi32, #tpu.memory_space<vmem>> -> memref<240xi32, #tpu.memory_space<vmem>>
    %dma_wait3A_16 = tpu.memref_slice %arg3[%add3A_8] : memref<8192xi32, #tpu.memory_space<hbm>> -> memref<240xi32, #tpu.memory_space<hbm>>
    %dma_wait3A_17 = arith.constant 16 : i32
    %dma_wait3A_18 = tpu.memref_slice %arg5[%dma_wait3A_17] : memref<256xi32, #tpu.memory_space<vmem>> -> memref<240xi32, #tpu.memory_space<vmem>>
    %dma_wait3A_19 = tpu.memref_slice %arg3[%add3A_8] : memref<8192xi32, #tpu.memory_space<hbm>> -> memref<240xi32, #tpu.memory_space<hbm>>
    tpu.wait_dma2 semaphore(%arg18 : memref<!tpu.dma_semaphore, #tpu.memory_space<semaphore_mem>>) src(%dma_wait3A_19 : memref<240xi32, #tpu.memory_space<hbm>>) dst(%dma_wait3A_18 : memref<240xi32, #tpu.memory_space<vmem>>)
    %dma_start3A_20 = arith.constant 16 : i32
    %dma_start3A_21 = tpu.memref_slice %arg5[%dma_start3A_20] : memref<256xi32, #tpu.memory_space<vmem>> -> memref<16xi32, #tpu.memory_space<vmem>>
    %dma_start3A_22 = arith.constant 0 : i32
    %dma_start3A_23 = arith.constant 0 : i32
    %dma_start3A_24 = tpu.memref_slice %arg2[%dma_start3A_22, %dma_start3A_23] : memref<100000x1024xf32, #tpu.memory_space<hbm>> -> memref<100000x1024xf32, #tpu.memory_space<hbm>>
    tpu.enqueue_indirect_dma source(%dma_start3A_24 : memref<100000x1024xf32, #tpu.memory_space<hbm>>) target(%arg7 : memref<16x1024xf32, #tpu.memory_space<vmem>>) offsets(%dma_start3A_21 : memref<16xi32, #tpu.memory_space<vmem>>) semaphore(%arg11 : memref<!tpu.dma_semaphore, #tpu.memory_space<semaphore_mem>>)
    %dma_start3A_25 = arith.constant 32 : i32
    %dma_start3A_26 = tpu.memref_slice %arg5[%dma_start3A_25] : memref<256xi32, #tpu.memory_space<vmem>> -> memref<16xi32, #tpu.memory_space<vmem>>
    %dma_start3A_27 = arith.constant 0 : i32
    %dma_start3A_28 = arith.constant 0 : i32
    %dma_start3A_29 = tpu.memref_slice %arg2[%dma_start3A_27, %dma_start3A_28] : memref<100000x1024xf32, #tpu.memory_space<hbm>> -> memref<100000x1024xf32, #tpu.memory_space<hbm>>
    tpu.enqueue_indirect_dma source(%dma_start3A_29 : memref<100000x1024xf32, #tpu.memory_space<hbm>>) target(%arg8 : memref<16x1024xf32, #tpu.memory_space<vmem>>) offsets(%dma_start3A_26 : memref<16xi32, #tpu.memory_space<vmem>>) semaphore(%arg12 : memref<!tpu.dma_semaphore, #tpu.memory_space<semaphore_mem>>)
    %scan3A = arith.constant 0 : i32
    %scan3A_30 = arith.constant 0 : i32
    %scan3A_31 = arith.constant 4 : i32
    %scan3A_32 = arith.addi %scan3A_30, %scan3A_31 : i32
    %scan3A_33 = arith.constant 1 : i32
    scf.for %scan3A_51 = %scan3A_30 to %scan3A_32 step %scan3A_33  : i32 {
      %mul3A_52 = arith.constant 4 : i32
      %mul3A_53 = arith.muli %scan3A_51, %mul3A_52 : i32
      %add3A_54 = arith.constant 0 : i32
      %add3A_55 = arith.addi %mul3A_53, %add3A_54 : i32
      %add3A_56 = arith.constant 4 : i32
      %add3A_57 = arith.addi %add3A_55, %add3A_56 : i32
      %sub3A = arith.constant 1 : i32
      %sub3A_58 = arith.subi %add3A_57, %sub3A : i32
      %lt3A = arith.constant 16 : i32
      %lt3A_59 = arith.cmpi slt, %sub3A_58, %lt3A : i32
      %convert_element_type3A = arith.extui %lt3A_59 : i1 to i32
      %cond3A = arith.constant 0 : i32
      %cond3A_60 = arith.cmpi ne, %convert_element_type3A, %cond3A : i32
      scf.if %cond3A_60 {
        %ge3A = arith.constant 1 : i32
        %ge3A_286 = arith.cmpi sge, %add3A_55, %ge3A : i32
        %convert_element_type3A_287 = arith.extui %ge3A_286 : i1 to i32
        %cond3A_288 = arith.constant 0 : i32
        %cond3A_289 = arith.cmpi ne, %convert_element_type3A_287, %cond3A_288 : i32
        scf.if %cond3A_289 {
          %dma_wait3A_300 = arith.constant 0 : i32
          %dma_wait3A_301 = tpu.memref_slice %arg4[%mul3A_2, %dma_wait3A_300] : memref<8192x1024xf32, #tpu.memory_space<hbm>> -> memref<16x1024xf32, #tpu.memory_space<hbm>>
          %dma_wait3A_302 = arith.constant 0 : i32
          %dma_wait3A_303 = tpu.memref_slice %arg4[%mul3A_2, %dma_wait3A_302] : memref<8192x1024xf32, #tpu.memory_space<hbm>> -> memref<16x1024xf32, #tpu.memory_space<hbm>>
          tpu.wait_dma2 semaphore(%arg17 : memref<!tpu.dma_semaphore, #tpu.memory_space<semaphore_mem>>) src(%arg9 : memref<16x1024xf32, #tpu.memory_space<vmem>>) dst(%dma_wait3A_303 : memref<16x1024xf32, #tpu.memory_space<hbm>>)
        } else {
        }
        %add3A_290 = arith.constant 4 : i32
        %add3A_291 = arith.addi %add3A_55, %add3A_290 : i32
        %sub3A_292 = arith.constant 1 : i32
        %sub3A_293 = arith.subi %add3A_291, %sub3A_292 : i32
        %mul3A_294 = arith.constant 16 : i32
        %mul3A_295 = arith.muli %sub3A_293, %mul3A_294 : i32
        %dma_start3A_296 = tpu.memref_slice %arg5[%mul3A_295] : memref<256xi32, #tpu.memory_space<vmem>> -> memref<16xi32, #tpu.memory_space<vmem>>
        %dma_start3A_297 = arith.constant 0 : i32
        %dma_start3A_298 = arith.constant 0 : i32
        %dma_start3A_299 = tpu.memref_slice %arg2[%dma_start3A_297, %dma_start3A_298] : memref<100000x1024xf32, #tpu.memory_space<hbm>> -> memref<100000x1024xf32, #tpu.memory_space<hbm>>
        tpu.enqueue_indirect_dma source(%dma_start3A_299 : memref<100000x1024xf32, #tpu.memory_space<hbm>>) target(%arg9 : memref<16x1024xf32, #tpu.memory_space<vmem>>) offsets(%dma_start3A_296 : memref<16xi32, #tpu.memory_space<vmem>>) semaphore(%arg13 : memref<!tpu.dma_semaphore, #tpu.memory_space<semaphore_mem>>)
      } else {
      }
      %mul3A_61 = arith.constant 16 : i32
      %mul3A_62 = arith.muli %add3A_55, %mul3A_61 : i32
      %dma_wait3A_63 = tpu.memref_slice %arg5[%mul3A_62] : memref<256xi32, #tpu.memory_space<vmem>> -> memref<16xi32, #tpu.memory_space<vmem>>
      %dma_wait3A_64 = arith.constant 0 : i32
      %dma_wait3A_65 = arith.constant 0 : i32
      %dma_wait3A_66 = tpu.memref_slice %arg2[%dma_wait3A_64, %dma_wait3A_65] : memref<100000x1024xf32, #tpu.memory_space<hbm>> -> memref<100000x1024xf32, #tpu.memory_space<hbm>>
      tpu.wait_indirect_dma semaphore(%arg10 : memref<!tpu.dma_semaphore, #tpu.memory_space<semaphore_mem>>) src(%dma_wait3A_66 : memref<100000x1024xf32, #tpu.memory_space<hbm>>) dst(%arg6 : memref<16x1024xf32, #tpu.memory_space<vmem>>)
      %scan3A_67 = arith.constant 0 : i32
      %scan3A_68 = arith.constant 0 : i32
      %scan3A_69 = arith.constant 64 : i32
      %scan3A_70 = arith.addi %scan3A_68, %scan3A_69 : i32
      %scan3A_71 = arith.constant 1 : i32
      scf.for %scan3A_286 = %scan3A_68 to %scan3A_70 step %scan3A_71  : i32 {
        %shift_right_arithmetic3A = arith.constant 3 : i32
        %shift_right_arithmetic3A_287 = arith.shrsi %scan3A_286, %shift_right_arithmetic3A : i32
        %and3A = arith.constant 7 : i32
        %and3A_288 = arith.andi %scan3A_286, %and3A : i32
        %mul3A_289 = arith.constant 128 : i32
        %mul3A_290 = arith.muli %and3A_288, %mul3A_289 : i32
        %add3A_291 = arith.constant 0 : i32
        %add3A_292 = arith.addi %mul3A_290, %add3A_291 : i32
        %get3A = arith.index_cast %shift_right_arithmetic3A_287 : i32 to index
        %get3A_293 = arith.index_cast %add3A_292 : i32 to index
        %get3A_294 = tpu.vector_load %arg6[%get3A, %get3A_293] {strides = array<i32>} : memref<16x1024xf32, #tpu.memory_space<vmem>>, vector<1x16xf32>,
        %get3A_295 = vector.shape_cast %get3A_294 : vector<1x16xf32> to vector<16xf32>
        %add3A_296 = arith.addf %get3A_295, %get3A_295 : vector<16xf32>
        %add3A_297 = arith.constant 0 : i32
        %add3A_298 = arith.addi %mul3A_290, %add3A_297 : i32
        %swap3A = arith.index_cast %shift_right_arithmetic3A_287 : i32 to index
        %swap3A_299 = arith.index_cast %add3A_298 : i32 to index
        %swap3A_300 = tpu.vector_load %arg6[%swap3A, %swap3A_299] {strides = array<i32>} : memref<16x1024xf32, #tpu.memory_space<vmem>>, vector<1x16xf32>,
        %swap3A_301 = vector.shape_cast %swap3A_300 : vector<1x16xf32> to vector<16xf32>
        %swap3A_302 = vector.shape_cast %add3A_296 : vector<16xf32> to vector<1x16xf32>
        tpu.vector_store %arg6[%swap3A, %swap3A_299], %swap3A_302 {strides = array<i32>} : memref<16x1024xf32, #tpu.memory_space<vmem>>, vector<1x16xf32>,
        %add3A_303 = arith.constant 16 : i32
        %add3A_304 = arith.addi %mul3A_290, %add3A_303 : i32
        %get3A_305 = arith.index_cast %shift_right_arithmetic3A_287 : i32 to index
        %get3A_306 = arith.index_cast %add3A_304 : i32 to index
        %get3A_307 = tpu.vector_load %arg6[%get3A_305, %get3A_306] {strides = array<i32>} : memref<16x1024xf32, #tpu.memory_space<vmem>>, vector<1x16xf32>,
        %get3A_308 = vector.shape_cast %get3A_307 : vector<1x16xf32> to vector<16xf32>
        %add3A_309 = arith.addf %get3A_308, %get3A_308 : vector<16xf32>
        %add3A_310 = arith.constant 16 : i32
        %add3A_311 = arith.addi %mul3A_290, %add3A_310 : i32
        %swap3A_312 = arith.index_cast %shift_right_arithmetic3A_287 : i32 to index
        %swap3A_313 = arith.index_cast %add3A_311 : i32 to index
        %swap3A_314 = tpu.vector_load %arg6[%swap3A_312, %swap3A_313] {strides = array<i32>} : memref<16x1024xf32, #tpu.memory_space<vmem>>, vector<1x16xf32>,
        %swap3A_315 = vector.shape_cast %swap3A_314 : vector<1x16xf32> to vector<16xf32>
        %swap3A_316 = vector.shape_cast %add3A_309 : vector<16xf32> to vector<1x16xf32>
        tpu.vector_store %arg6[%swap3A_312, %swap3A_313], %swap3A_316 {strides = array<i32>} : memref<16x1024xf32, #tpu.memory_space<vmem>>, vector<1x16xf32>,
        %add3A_317 = arith.constant 32 : i32
        %add3A_318 = arith.addi %mul3A_290, %add3A_317 : i32
        %get3A_319 = arith.index_cast %shift_right_arithmetic3A_287 : i32 to index
        %get3A_320 = arith.index_cast %add3A_318 : i32 to index
        %get3A_321 = tpu.vector_load %arg6[%get3A_319, %get3A_320] {strides = array<i32>} : memref<16x1024xf32, #tpu.memory_space<vmem>>, vector<1x16xf32>,
        %get3A_322 = vector.shape_cast %get3A_321 : vector<1x16xf32> to vector<16xf32>
        %add3A_323 = arith.addf %get3A_322, %get3A_322 : vector<16xf32>
        %add3A_324 = arith.constant 32 : i32
        %add3A_325 = arith.addi %mul3A_290, %add3A_324 : i32
        %swap3A_326 = arith.index_cast %shift_right_arithmetic3A_287 : i32 to index
        %swap3A_327 = arith.index_cast %add3A_325 : i32 to index
        %swap3A_328 = tpu.vector_load %arg6[%swap3A_326, %swap3A_327] {strides = array<i32>} : memref<16x1024xf32, #tpu.memory_space<vmem>>, vector<1x16xf32>,
        %swap3A_329 = vector.shape_cast %swap3A_328 : vector<1x16xf32> to vector<16xf32>
        %swap3A_330 = vector.shape_cast %add3A_323 : vector<16xf32> to vector<1x16xf32>
        tpu.vector_store %arg6[%swap3A_326, %swap3A_327], %swap3A_330 {strides = array<i32>} : memref<16x1024xf32, #tpu.memory_space<vmem>>, vector<1x16xf32>,
        %add3A_331 = arith.constant 48 : i32
        %add3A_332 = arith.addi %mul3A_290, %add3A_331 : i32
        %get3A_333 = arith.index_cast %shift_right_arithmetic3A_287 : i32 to index
        %get3A_334 = arith.index_cast %add3A_332 : i32 to index
        %get3A_335 = tpu.vector_load %arg6[%get3A_333, %get3A_334] {strides = array<i32>} : memref<16x1024xf32, #tpu.memory_space<vmem>>, vector<1x16xf32>,
        %get3A_336 = vector.shape_cast %get3A_335 : vector<1x16xf32> to vector<16xf32>
        %add3A_337 = arith.addf %get3A_336, %get3A_336 : vector<16xf32>
        %add3A_338 = arith.constant 48 : i32
        %add3A_339 = arith.addi %mul3A_290, %add3A_338 : i32
        %swap3A_340 = arith.index_cast %shift_right_arithmetic3A_287 : i32 to index
        %swap3A_341 = arith.index_cast %add3A_339 : i32 to index
        %swap3A_342 = tpu.vector_load %arg6[%swap3A_340, %swap3A_341] {strides = array<i32>} : memref<16x1024xf32, #tpu.memory_space<vmem>>, vector<1x16xf32>,
        %swap3A_343 = vector.shape_cast %swap3A_342 : vector<1x16xf32> to vector<16xf32>
        %swap3A_344 = vector.shape_cast %add3A_337 : vector<16xf32> to vector<1x16xf32>
        tpu.vector_store %arg6[%swap3A_340, %swap3A_341], %swap3A_344 {strides = array<i32>} : memref<16x1024xf32, #tpu.memory_space<vmem>>, vector<1x16xf32>,
        %add3A_345 = arith.constant 64 : i32
        %add3A_346 = arith.addi %mul3A_290, %add3A_345 : i32
        %get3A_347 = arith.index_cast %shift_right_arithmetic3A_287 : i32 to index
        %get3A_348 = arith.index_cast %add3A_346 : i32 to index
        %get3A_349 = tpu.vector_load %arg6[%get3A_347, %get3A_348] {strides = array<i32>} : memref<16x1024xf32, #tpu.memory_space<vmem>>, vector<1x16xf32>,
        %get3A_350 = vector.shape_cast %get3A_349 : vector<1x16xf32> to vector<16xf32>
        %add3A_351 = arith.addf %get3A_350, %get3A_350 : vector<16xf32>
        %add3A_352 = arith.constant 64 : i32
        %add3A_353 = arith.addi %mul3A_290, %add3A_352 : i32
        %swap3A_354 = arith.index_cast %shift_right_arithmetic3A_287 : i32 to index
        %swap3A_355 = arith.index_cast %add3A_353 : i32 to index
        %swap3A_356 = tpu.vector_load %arg6[%swap3A_354, %swap3A_355] {strides = array<i32>} : memref<16x1024xf32, #tpu.memory_space<vmem>>, vector<1x16xf32>,
        %swap3A_357 = vector.shape_cast %swap3A_356 : vector<1x16xf32> to vector<16xf32>
        %swap3A_358 = vector.shape_cast %add3A_351 : vector<16xf32> to vector<1x16xf32>
        tpu.vector_store %arg6[%swap3A_354, %swap3A_355], %swap3A_358 {strides = array<i32>} : memref<16x1024xf32, #tpu.memory_space<vmem>>, vector<1x16xf32>,
        %add3A_359 = arith.constant 80 : i32
        %add3A_360 = arith.addi %mul3A_290, %add3A_359 : i32
        %get3A_361 = arith.index_cast %shift_right_arithmetic3A_287 : i32 to index
        %get3A_362 = arith.index_cast %add3A_360 : i32 to index
        %get3A_363 = tpu.vector_load %arg6[%get3A_361, %get3A_362] {strides = array<i32>} : memref<16x1024xf32, #tpu.memory_space<vmem>>, vector<1x16xf32>,
        %get3A_364 = vector.shape_cast %get3A_363 : vector<1x16xf32> to vector<16xf32>
        %add3A_365 = arith.addf %get3A_364, %get3A_364 : vector<16xf32>
        %add3A_366 = arith.constant 80 : i32
        %add3A_367 = arith.addi %mul3A_290, %add3A_366 : i32
        %swap3A_368 = arith.index_cast %shift_right_arithmetic3A_287 : i32 to index
        %swap3A_369 = arith.index_cast %add3A_367 : i32 to index
        %swap3A_370 = tpu.vector_load %arg6[%swap3A_368, %swap3A_369] {strides = array<i32>} : memref<16x1024xf32, #tpu.memory_space<vmem>>, vector<1x16xf32>,
        %swap3A_371 = vector.shape_cast %swap3A_370 : vector<1x16xf32> to vector<16xf32>
        %swap3A_372 = vector.shape_cast %add3A_365 : vector<16xf32> to vector<1x16xf32>
        tpu.vector_store %arg6[%swap3A_368, %swap3A_369], %swap3A_372 {strides = array<i32>} : memref<16x1024xf32, #tpu.memory_space<vmem>>, vector<1x16xf32>,
        %add3A_373 = arith.constant 96 : i32
        %add3A_374 = arith.addi %mul3A_290, %add3A_373 : i32
        %get3A_375 = arith.index_cast %shift_right_arithmetic3A_287 : i32 to index
        %get3A_376 = arith.index_cast %add3A_374 : i32 to index
        %get3A_377 = tpu.vector_load %arg6[%get3A_375, %get3A_376] {strides = array<i32>} : memref<16x1024xf32, #tpu.memory_space<vmem>>, vector<1x16xf32>,
        %get3A_378 = vector.shape_cast %get3A_377 : vector<1x16xf32> to vector<16xf32>
        %add3A_379 = arith.addf %get3A_378, %get3A_378 : vector<16xf32>
        %add3A_380 = arith.constant 96 : i32
        %add3A_381 = arith.addi %mul3A_290, %add3A_380 : i32
        %swap3A_382 = arith.index_cast %shift_right_arithmetic3A_287 : i32 to index
        %swap3A_383 = arith.index_cast %add3A_381 : i32 to index
        %swap3A_384 = tpu.vector_load %arg6[%swap3A_382, %swap3A_383] {strides = array<i32>} : memref<16x1024xf32, #tpu.memory_space<vmem>>, vector<1x16xf32>,
        %swap3A_385 = vector.shape_cast %swap3A_384 : vector<1x16xf32> to vector<16xf32>
        %swap3A_386 = vector.shape_cast %add3A_379 : vector<16xf32> to vector<1x16xf32>
        tpu.vector_store %arg6[%swap3A_382, %swap3A_383], %swap3A_386 {strides = array<i32>} : memref<16x1024xf32, #tpu.memory_space<vmem>>, vector<1x16xf32>,
        %add3A_387 = arith.constant 112 : i32
        %add3A_388 = arith.addi %mul3A_290, %add3A_387 : i32
        %get3A_389 = arith.index_cast %shift_right_arithmetic3A_287 : i32 to index
        %get3A_390 = arith.index_cast %add3A_388 : i32 to index
        %get3A_391 = tpu.vector_load %arg6[%get3A_389, %get3A_390] {strides = array<i32>} : memref<16x1024xf32, #tpu.memory_space<vmem>>, vector<1x16xf32>,
        %get3A_392 = vector.shape_cast %get3A_391 : vector<1x16xf32> to vector<16xf32>
        %add3A_393 = arith.addf %get3A_392, %get3A_392 : vector<16xf32>
        %add3A_394 = arith.constant 112 : i32
        %add3A_395 = arith.addi %mul3A_290, %add3A_394 : i32
        %swap3A_396 = arith.index_cast %shift_right_arithmetic3A_287 : i32 to index
        %swap3A_397 = arith.index_cast %add3A_395 : i32 to index
        %swap3A_398 = tpu.vector_load %arg6[%swap3A_396, %swap3A_397] {strides = array<i32>} : memref<16x1024xf32, #tpu.memory_space<vmem>>, vector<1x16xf32>,
        %swap3A_399 = vector.shape_cast %swap3A_398 : vector<1x16xf32> to vector<16xf32>
        %swap3A_400 = vector.shape_cast %add3A_393 : vector<16xf32> to vector<1x16xf32>
        tpu.vector_store %arg6[%swap3A_396, %swap3A_397], %swap3A_400 {strides = array<i32>} : memref<16x1024xf32, #tpu.memory_space<vmem>>, vector<1x16xf32>,
      }
      %scan3A_72 = arith.constant 64 : i32
      %mul3A_73 = arith.constant 16 : i32
      %mul3A_74 = arith.muli %add3A_55, %mul3A_73 : i32
      %add3A_75 = arith.addi %mul3A_2, %mul3A_74 : i32
      %add3A_76 = arith.constant 0 : i32
      %add3A_77 = arith.addi %add3A_75, %add3A_76 : i32
      %dma_start3A_78 = arith.constant 0 : i32
      %dma_start3A_79 = arith.constant 0 : i32
      %dma_start3A_80 = tpu.memref_slice %arg6[%dma_start3A_78, %dma_start3A_79] : memref<16x1024xf32, #tpu.memory_space<vmem>> -> memref<8x1024xf32, #tpu.memory_space<vmem>>
      %dma_start3A_81 = arith.constant 0 : i32
      %dma_start3A_82 = tpu.memref_slice %arg4[%add3A_77, %dma_start3A_81] : memref<8192x1024xf32, #tpu.memory_space<hbm>> -> memref<8x1024xf32, #tpu.memory_space<hbm>>
      %dma_start3A_83 = arith.constant 0 : i32
      %dma_start3A_84 = tpu.memref_slice %arg4[%add3A_77, %dma_start3A_83] : memref<8192x1024xf32, #tpu.memory_space<hbm>> -> memref<8x1024xf32, #tpu.memory_space<hbm>>
      %dma_start3A_85 = arith.constant 0 : i32
      %dma_start3A_86 = arith.constant 0 : i32
      %dma_start3A_87 = tpu.memref_slice %arg6[%dma_start3A_85, %dma_start3A_86] : memref<16x1024xf32, #tpu.memory_space<vmem>> -> memref<8x1024xf32, #tpu.memory_space<vmem>>
      tpu.enqueue_dma source(%dma_start3A_87 : memref<8x1024xf32, #tpu.memory_space<vmem>>) target(%dma_start3A_84 : memref<8x1024xf32, #tpu.memory_space<hbm>>) target_semaphore(%arg14 : memref<!tpu.dma_semaphore, #tpu.memory_space<semaphore_mem>>)
      %scan3A_88 = arith.constant 0 : i32
      %scan3A_89 = arith.constant 64 : i32
      %scan3A_90 = arith.constant 64 : i32
      %scan3A_91 = arith.addi %scan3A_89, %scan3A_90 : i32
      %scan3A_92 = arith.constant 1 : i32
      scf.for %scan3A_286 = %scan3A_89 to %scan3A_91 step %scan3A_92  : i32 {
        %shift_right_arithmetic3A = arith.constant 3 : i32
        %shift_right_arithmetic3A_287 = arith.shrsi %scan3A_286, %shift_right_arithmetic3A : i32
        %and3A = arith.constant 7 : i32
        %and3A_288 = arith.andi %scan3A_286, %and3A : i32
        %mul3A_289 = arith.constant 128 : i32
        %mul3A_290 = arith.muli %and3A_288, %mul3A_289 : i32
        %add3A_291 = arith.constant 0 : i32
        %add3A_292 = arith.addi %mul3A_290, %add3A_291 : i32
        %get3A = arith.index_cast %shift_right_arithmetic3A_287 : i32 to index
        %get3A_293 = arith.index_cast %add3A_292 : i32 to index
        %get3A_294 = tpu.vector_load %arg6[%get3A, %get3A_293] {strides = array<i32>} : memref<16x1024xf32, #tpu.memory_space<vmem>>, vector<1x16xf32>,
        %get3A_295 = vector.shape_cast %get3A_294 : vector<1x16xf32> to vector<16xf32>
        %add3A_296 = arith.addf %get3A_295, %get3A_295 : vector<16xf32>
        %add3A_297 = arith.constant 0 : i32
        %add3A_298 = arith.addi %mul3A_290, %add3A_297 : i32
        %swap3A = arith.index_cast %shift_right_arithmetic3A_287 : i32 to index
        %swap3A_299 = arith.index_cast %add3A_298 : i32 to index
        %swap3A_300 = tpu.vector_load %arg6[%swap3A, %swap3A_299] {strides = array<i32>} : memref<16x1024xf32, #tpu.memory_space<vmem>>, vector<1x16xf32>,
        %swap3A_301 = vector.shape_cast %swap3A_300 : vector<1x16xf32> to vector<16xf32>
        %swap3A_302 = vector.shape_cast %add3A_296 : vector<16xf32> to vector<1x16xf32>
        tpu.vector_store %arg6[%swap3A, %swap3A_299], %swap3A_302 {strides = array<i32>} : memref<16x1024xf32, #tpu.memory_space<vmem>>, vector<1x16xf32>,
        %add3A_303 = arith.constant 16 : i32
        %add3A_304 = arith.addi %mul3A_290, %add3A_303 : i32
        %get3A_305 = arith.index_cast %shift_right_arithmetic3A_287 : i32 to index
        %get3A_306 = arith.index_cast %add3A_304 : i32 to index
        %get3A_307 = tpu.vector_load %arg6[%get3A_305, %get3A_306] {strides = array<i32>} : memref<16x1024xf32, #tpu.memory_space<vmem>>, vector<1x16xf32>,
        %get3A_308 = vector.shape_cast %get3A_307 : vector<1x16xf32> to vector<16xf32>
        %add3A_309 = arith.addf %get3A_308, %get3A_308 : vector<16xf32>
        %add3A_310 = arith.constant 16 : i32
        %add3A_311 = arith.addi %mul3A_290, %add3A_310 : i32
        %swap3A_312 = arith.index_cast %shift_right_arithmetic3A_287 : i32 to index
        %swap3A_313 = arith.index_cast %add3A_311 : i32 to index
        %swap3A_314 = tpu.vector_load %arg6[%swap3A_312, %swap3A_313] {strides = array<i32>} : memref<16x1024xf32, #tpu.memory_space<vmem>>, vector<1x16xf32>,
        %swap3A_315 = vector.shape_cast %swap3A_314 : vector<1x16xf32> to vector<16xf32>
        %swap3A_316 = vector.shape_cast %add3A_309 : vector<16xf32> to vector<1x16xf32>
        tpu.vector_store %arg6[%swap3A_312, %swap3A_313], %swap3A_316 {strides = array<i32>} : memref<16x1024xf32, #tpu.memory_space<vmem>>, vector<1x16xf32>,
        %add3A_317 = arith.constant 32 : i32
        %add3A_318 = arith.addi %mul3A_290, %add3A_317 : i32
        %get3A_319 = arith.index_cast %shift_right_arithmetic3A_287 : i32 to index
        %get3A_320 = arith.index_cast %add3A_318 : i32 to index
        %get3A_321 = tpu.vector_load %arg6[%get3A_319, %get3A_320] {strides = array<i32>} : memref<16x1024xf32, #tpu.memory_space<vmem>>, vector<1x16xf32>,
        %get3A_322 = vector.shape_cast %get3A_321 : vector<1x16xf32> to vector<16xf32>
        %add3A_323 = arith.addf %get3A_322, %get3A_322 : vector<16xf32>
        %add3A_324 = arith.constant 32 : i32
        %add3A_325 = arith.addi %mul3A_290, %add3A_324 : i32
        %swap3A_326 = arith.index_cast %shift_right_arithmetic3A_287 : i32 to index
        %swap3A_327 = arith.index_cast %add3A_325 : i32 to index
        %swap3A_328 = tpu.vector_load %arg6[%swap3A_326, %swap3A_327] {strides = array<i32>} : memref<16x1024xf32, #tpu.memory_space<vmem>>, vector<1x16xf32>,
        %swap3A_329 = vector.shape_cast %swap3A_328 : vector<1x16xf32> to vector<16xf32>
        %swap3A_330 = vector.shape_cast %add3A_323 : vector<16xf32> to vector<1x16xf32>
        tpu.vector_store %arg6[%swap3A_326, %swap3A_327], %swap3A_330 {strides = array<i32>} : memref<16x1024xf32, #tpu.memory_space<vmem>>, vector<1x16xf32>,
        %add3A_331 = arith.constant 48 : i32
        %add3A_332 = arith.addi %mul3A_290, %add3A_331 : i32
        %get3A_333 = arith.index_cast %shift_right_arithmetic3A_287 : i32 to index
        %get3A_334 = arith.index_cast %add3A_332 : i32 to index
        %get3A_335 = tpu.vector_load %arg6[%get3A_333, %get3A_334] {strides = array<i32>} : memref<16x1024xf32, #tpu.memory_space<vmem>>, vector<1x16xf32>,
        %get3A_336 = vector.shape_cast %get3A_335 : vector<1x16xf32> to vector<16xf32>
        %add3A_337 = arith.addf %get3A_336, %get3A_336 : vector<16xf32>
        %add3A_338 = arith.constant 48 : i32
        %add3A_339 = arith.addi %mul3A_290, %add3A_338 : i32
        %swap3A_340 = arith.index_cast %shift_right_arithmetic3A_287 : i32 to index
        %swap3A_341 = arith.index_cast %add3A_339 : i32 to index
        %swap3A_342 = tpu.vector_load %arg6[%swap3A_340, %swap3A_341] {strides = array<i32>} : memref<16x1024xf32, #tpu.memory_space<vmem>>, vector<1x16xf32>,
        %swap3A_343 = vector.shape_cast %swap3A_342 : vector<1x16xf32> to vector<16xf32>
        %swap3A_344 = vector.shape_cast %add3A_337 : vector<16xf32> to vector<1x16xf32>
        tpu.vector_store %arg6[%swap3A_340, %swap3A_341], %swap3A_344 {strides = array<i32>} : memref<16x1024xf32, #tpu.memory_space<vmem>>, vector<1x16xf32>,
        %add3A_345 = arith.constant 64 : i32
        %add3A_346 = arith.addi %mul3A_290, %add3A_345 : i32
        %get3A_347 = arith.index_cast %shift_right_arithmetic3A_287 : i32 to index
        %get3A_348 = arith.index_cast %add3A_346 : i32 to index
        %get3A_349 = tpu.vector_load %arg6[%get3A_347, %get3A_348] {strides = array<i32>} : memref<16x1024xf32, #tpu.memory_space<vmem>>, vector<1x16xf32>,
        %get3A_350 = vector.shape_cast %get3A_349 : vector<1x16xf32> to vector<16xf32>
        %add3A_351 = arith.addf %get3A_350, %get3A_350 : vector<16xf32>
        %add3A_352 = arith.constant 64 : i32
        %add3A_353 = arith.addi %mul3A_290, %add3A_352 : i32
        %swap3A_354 = arith.index_cast %shift_right_arithmetic3A_287 : i32 to index
        %swap3A_355 = arith.index_cast %add3A_353 : i32 to index
        %swap3A_356 = tpu.vector_load %arg6[%swap3A_354, %swap3A_355] {strides = array<i32>} : memref<16x1024xf32, #tpu.memory_space<vmem>>, vector<1x16xf32>,
        %swap3A_357 = vector.shape_cast %swap3A_356 : vector<1x16xf32> to vector<16xf32>
        %swap3A_358 = vector.shape_cast %add3A_351 : vector<16xf32> to vector<1x16xf32>
        tpu.vector_store %arg6[%swap3A_354, %swap3A_355], %swap3A_358 {strides = array<i32>} : memref<16x1024xf32, #tpu.memory_space<vmem>>, vector<1x16xf32>,
        %add3A_359 = arith.constant 80 : i32
        %add3A_360 = arith.addi %mul3A_290, %add3A_359 : i32
        %get3A_361 = arith.index_cast %shift_right_arithmetic3A_287 : i32 to index
        %get3A_362 = arith.index_cast %add3A_360 : i32 to index
        %get3A_363 = tpu.vector_load %arg6[%get3A_361, %get3A_362] {strides = array<i32>} : memref<16x1024xf32, #tpu.memory_space<vmem>>, vector<1x16xf32>,
        %get3A_364 = vector.shape_cast %get3A_363 : vector<1x16xf32> to vector<16xf32>
        %add3A_365 = arith.addf %get3A_364, %get3A_364 : vector<16xf32>
        %add3A_366 = arith.constant 80 : i32
        %add3A_367 = arith.addi %mul3A_290, %add3A_366 : i32
        %swap3A_368 = arith.index_cast %shift_right_arithmetic3A_287 : i32 to index
        %swap3A_369 = arith.index_cast %add3A_367 : i32 to index
        %swap3A_370 = tpu.vector_load %arg6[%swap3A_368, %swap3A_369] {strides = array<i32>} : memref<16x1024xf32, #tpu.memory_space<vmem>>, vector<1x16xf32>,
        %swap3A_371 = vector.shape_cast %swap3A_370 : vector<1x16xf32> to vector<16xf32>
        %swap3A_372 = vector.shape_cast %add3A_365 : vector<16xf32> to vector<1x16xf32>
        tpu.vector_store %arg6[%swap3A_368, %swap3A_369], %swap3A_372 {strides = array<i32>} : memref<16x1024xf32, #tpu.memory_space<vmem>>, vector<1x16xf32>,
        %add3A_373 = arith.constant 96 : i32
        %add3A_374 = arith.addi %mul3A_290, %add3A_373 : i32
        %get3A_375 = arith.index_cast %shift_right_arithmetic3A_287 : i32 to index
        %get3A_376 = arith.index_cast %add3A_374 : i32 to index
        %get3A_377 = tpu.vector_load %arg6[%get3A_375, %get3A_376] {strides = array<i32>} : memref<16x1024xf32, #tpu.memory_space<vmem>>, vector<1x16xf32>,
        %get3A_378 = vector.shape_cast %get3A_377 : vector<1x16xf32> to vector<16xf32>
        %add3A_379 = arith.addf %get3A_378, %get3A_378 : vector<16xf32>
        %add3A_380 = arith.constant 96 : i32
        %add3A_381 = arith.addi %mul3A_290, %add3A_380 : i32
        %swap3A_382 = arith.index_cast %shift_right_arithmetic3A_287 : i32 to index
        %swap3A_383 = arith.index_cast %add3A_381 : i32 to index
        %swap3A_384 = tpu.vector_load %arg6[%swap3A_382, %swap3A_383] {strides = array<i32>} : memref<16x1024xf32, #tpu.memory_space<vmem>>, vector<1x16xf32>,
        %swap3A_385 = vector.shape_cast %swap3A_384 : vector<1x16xf32> to vector<16xf32>
        %swap3A_386 = vector.shape_cast %add3A_379 : vector<16xf32> to vector<1x16xf32>
        tpu.vector_store %arg6[%swap3A_382, %swap3A_383], %swap3A_386 {strides = array<i32>} : memref<16x1024xf32, #tpu.memory_space<vmem>>, vector<1x16xf32>,
        %add3A_387 = arith.constant 112 : i32
        %add3A_388 = arith.addi %mul3A_290, %add3A_387 : i32
        %get3A_389 = arith.index_cast %shift_right_arithmetic3A_287 : i32 to index
        %get3A_390 = arith.index_cast %add3A_388 : i32 to index
        %get3A_391 = tpu.vector_load %arg6[%get3A_389, %get3A_390] {strides = array<i32>} : memref<16x1024xf32, #tpu.memory_space<vmem>>, vector<1x16xf32>,
        %get3A_392 = vector.shape_cast %get3A_391 : vector<1x16xf32> to vector<16xf32>
        %add3A_393 = arith.addf %get3A_392, %get3A_392 : vector<16xf32>
        %add3A_394 = arith.constant 112 : i32
        %add3A_395 = arith.addi %mul3A_290, %add3A_394 : i32
        %swap3A_396 = arith.index_cast %shift_right_arithmetic3A_287 : i32 to index
        %swap3A_397 = arith.index_cast %add3A_395 : i32 to index
        %swap3A_398 = tpu.vector_load %arg6[%swap3A_396, %swap3A_397] {strides = array<i32>} : memref<16x1024xf32, #tpu.memory_space<vmem>>, vector<1x16xf32>,
        %swap3A_399 = vector.shape_cast %swap3A_398 : vector<1x16xf32> to vector<16xf32>
        %swap3A_400 = vector.shape_cast %add3A_393 : vector<16xf32> to vector<1x16xf32>
        tpu.vector_store %arg6[%swap3A_396, %swap3A_397], %swap3A_400 {strides = array<i32>} : memref<16x1024xf32, #tpu.memory_space<vmem>>, vector<1x16xf32>,
      }
      %scan3A_93 = arith.constant 64 : i32
      %mul3A_94 = arith.constant 16 : i32
      %mul3A_95 = arith.muli %add3A_55, %mul3A_94 : i32
      %add3A_96 = arith.addi %mul3A_2, %mul3A_95 : i32
      %add3A_97 = arith.constant 8 : i32
      %add3A_98 = arith.addi %add3A_96, %add3A_97 : i32
      %dma_start3A_99 = arith.constant 8 : i32
      %dma_start3A_100 = arith.constant 0 : i32
      %dma_start3A_101 = tpu.memref_slice %arg6[%dma_start3A_99, %dma_start3A_100] : memref<16x1024xf32, #tpu.memory_space<vmem>> -> memref<8x1024xf32, #tpu.memory_space<vmem>>
      %dma_start3A_102 = arith.constant 0 : i32
      %dma_start3A_103 = tpu.memref_slice %arg4[%add3A_98, %dma_start3A_102] : memref<8192x1024xf32, #tpu.memory_space<hbm>> -> memref<8x1024xf32, #tpu.memory_space<hbm>>
      %dma_start3A_104 = arith.constant 0 : i32
      %dma_start3A_105 = tpu.memref_slice %arg4[%add3A_98, %dma_start3A_104] : memref<8192x1024xf32, #tpu.memory_space<hbm>> -> memref<8x1024xf32, #tpu.memory_space<hbm>>
      %dma_start3A_106 = arith.constant 8 : i32
      %dma_start3A_107 = arith.constant 0 : i32
      %dma_start3A_108 = tpu.memref_slice %arg6[%dma_start3A_106, %dma_start3A_107] : memref<16x1024xf32, #tpu.memory_space<vmem>> -> memref<8x1024xf32, #tpu.memory_space<vmem>>
      tpu.enqueue_dma source(%dma_start3A_108 : memref<8x1024xf32, #tpu.memory_space<vmem>>) target(%dma_start3A_105 : memref<8x1024xf32, #tpu.memory_space<hbm>>) target_semaphore(%arg14 : memref<!tpu.dma_semaphore, #tpu.memory_space<semaphore_mem>>)
      %add3A_109 = arith.constant 1 : i32
      %add3A_110 = arith.addi %mul3A_53, %add3A_109 : i32
      %add3A_111 = arith.constant 4 : i32
      %add3A_112 = arith.addi %add3A_110, %add3A_111 : i32
      %sub3A_113 = arith.constant 1 : i32
      %sub3A_114 = arith.subi %add3A_112, %sub3A_113 : i32
      %lt3A_115 = arith.constant 16 : i32
      %lt3A_116 = arith.cmpi slt, %sub3A_114, %lt3A_115 : i32
      %convert_element_type3A_117 = arith.extui %lt3A_116 : i1 to i32
      %cond3A_118 = arith.constant 0 : i32
      %cond3A_119 = arith.cmpi ne, %convert_element_type3A_117, %cond3A_118 : i32
      scf.if %cond3A_119 {
        %ge3A = arith.constant 1 : i32
        %ge3A_286 = arith.cmpi sge, %add3A_110, %ge3A : i32
        %convert_element_type3A_287 = arith.extui %ge3A_286 : i1 to i32
        %cond3A_288 = arith.constant 0 : i32
        %cond3A_289 = arith.cmpi ne, %convert_element_type3A_287, %cond3A_288 : i32
        scf.if %cond3A_289 {
          %dma_wait3A_300 = arith.constant 0 : i32
          %dma_wait3A_301 = tpu.memref_slice %arg4[%mul3A_2, %dma_wait3A_300] : memref<8192x1024xf32, #tpu.memory_space<hbm>> -> memref<16x1024xf32, #tpu.memory_space<hbm>>
          %dma_wait3A_302 = arith.constant 0 : i32
          %dma_wait3A_303 = tpu.memref_slice %arg4[%mul3A_2, %dma_wait3A_302] : memref<8192x1024xf32, #tpu.memory_space<hbm>> -> memref<16x1024xf32, #tpu.memory_space<hbm>>
          tpu.wait_dma2 semaphore(%arg14 : memref<!tpu.dma_semaphore, #tpu.memory_space<semaphore_mem>>) src(%arg6 : memref<16x1024xf32, #tpu.memory_space<vmem>>) dst(%dma_wait3A_303 : memref<16x1024xf32, #tpu.memory_space<hbm>>)
        } else {
        }
        %add3A_290 = arith.constant 4 : i32
        %add3A_291 = arith.addi %add3A_110, %add3A_290 : i32
        %sub3A_292 = arith.constant 1 : i32
        %sub3A_293 = arith.subi %add3A_291, %sub3A_292 : i32
        %mul3A_294 = arith.constant 16 : i32
        %mul3A_295 = arith.muli %sub3A_293, %mul3A_294 : i32
        %dma_start3A_296 = tpu.memref_slice %arg5[%mul3A_295] : memref<256xi32, #tpu.memory_space<vmem>> -> memref<16xi32, #tpu.memory_space<vmem>>
        %dma_start3A_297 = arith.constant 0 : i32
        %dma_start3A_298 = arith.constant 0 : i32
        %dma_start3A_299 = tpu.memref_slice %arg2[%dma_start3A_297, %dma_start3A_298] : memref<100000x1024xf32, #tpu.memory_space<hbm>> -> memref<100000x1024xf32, #tpu.memory_space<hbm>>
        tpu.enqueue_indirect_dma source(%dma_start3A_299 : memref<100000x1024xf32, #tpu.memory_space<hbm>>) target(%arg6 : memref<16x1024xf32, #tpu.memory_space<vmem>>) offsets(%dma_start3A_296 : memref<16xi32, #tpu.memory_space<vmem>>) semaphore(%arg10 : memref<!tpu.dma_semaphore, #tpu.memory_space<semaphore_mem>>)
      } else {
      }
      %mul3A_120 = arith.constant 16 : i32
      %mul3A_121 = arith.muli %add3A_110, %mul3A_120 : i32
      %dma_wait3A_122 = tpu.memref_slice %arg5[%mul3A_121] : memref<256xi32, #tpu.memory_space<vmem>> -> memref<16xi32, #tpu.memory_space<vmem>>
      %dma_wait3A_123 = arith.constant 0 : i32
      %dma_wait3A_124 = arith.constant 0 : i32
      %dma_wait3A_125 = tpu.memref_slice %arg2[%dma_wait3A_123, %dma_wait3A_124] : memref<100000x1024xf32, #tpu.memory_space<hbm>> -> memref<100000x1024xf32, #tpu.memory_space<hbm>>
      tpu.wait_indirect_dma semaphore(%arg11 : memref<!tpu.dma_semaphore, #tpu.memory_space<semaphore_mem>>) src(%dma_wait3A_125 : memref<100000x1024xf32, #tpu.memory_space<hbm>>) dst(%arg7 : memref<16x1024xf32, #tpu.memory_space<vmem>>)
      %scan3A_126 = arith.constant 0 : i32
      %scan3A_127 = arith.constant 0 : i32
      %scan3A_128 = arith.constant 64 : i32
      %scan3A_129 = arith.addi %scan3A_127, %scan3A_128 : i32
      %scan3A_130 = arith.constant 1 : i32
      scf.for %scan3A_286 = %scan3A_127 to %scan3A_129 step %scan3A_130  : i32 {
        %shift_right_arithmetic3A = arith.constant 3 : i32
        %shift_right_arithmetic3A_287 = arith.shrsi %scan3A_286, %shift_right_arithmetic3A : i32
        %and3A = arith.constant 7 : i32
        %and3A_288 = arith.andi %scan3A_286, %and3A : i32
        %mul3A_289 = arith.constant 128 : i32
        %mul3A_290 = arith.muli %and3A_288, %mul3A_289 : i32
        %add3A_291 = arith.constant 0 : i32
        %add3A_292 = arith.addi %mul3A_290, %add3A_291 : i32
        %get3A = arith.index_cast %shift_right_arithmetic3A_287 : i32 to index
        %get3A_293 = arith.index_cast %add3A_292 : i32 to index
        %get3A_294 = tpu.vector_load %arg7[%get3A, %get3A_293] {strides = array<i32>} : memref<16x1024xf32, #tpu.memory_space<vmem>>, vector<1x16xf32>,
        %get3A_295 = vector.shape_cast %get3A_294 : vector<1x16xf32> to vector<16xf32>
        %add3A_296 = arith.addf %get3A_295, %get3A_295 : vector<16xf32>
        %add3A_297 = arith.constant 0 : i32
        %add3A_298 = arith.addi %mul3A_290, %add3A_297 : i32
        %swap3A = arith.index_cast %shift_right_arithmetic3A_287 : i32 to index
        %swap3A_299 = arith.index_cast %add3A_298 : i32 to index
        %swap3A_300 = tpu.vector_load %arg7[%swap3A, %swap3A_299] {strides = array<i32>} : memref<16x1024xf32, #tpu.memory_space<vmem>>, vector<1x16xf32>,
        %swap3A_301 = vector.shape_cast %swap3A_300 : vector<1x16xf32> to vector<16xf32>
        %swap3A_302 = vector.shape_cast %add3A_296 : vector<16xf32> to vector<1x16xf32>
        tpu.vector_store %arg7[%swap3A, %swap3A_299], %swap3A_302 {strides = array<i32>} : memref<16x1024xf32, #tpu.memory_space<vmem>>, vector<1x16xf32>,
        %add3A_303 = arith.constant 16 : i32
        %add3A_304 = arith.addi %mul3A_290, %add3A_303 : i32
        %get3A_305 = arith.index_cast %shift_right_arithmetic3A_287 : i32 to index
        %get3A_306 = arith.index_cast %add3A_304 : i32 to index
        %get3A_307 = tpu.vector_load %arg7[%get3A_305, %get3A_306] {strides = array<i32>} : memref<16x1024xf32, #tpu.memory_space<vmem>>, vector<1x16xf32>,
        %get3A_308 = vector.shape_cast %get3A_307 : vector<1x16xf32> to vector<16xf32>
        %add3A_309 = arith.addf %get3A_308, %get3A_308 : vector<16xf32>
        %add3A_310 = arith.constant 16 : i32
        %add3A_311 = arith.addi %mul3A_290, %add3A_310 : i32
        %swap3A_312 = arith.index_cast %shift_right_arithmetic3A_287 : i32 to index
        %swap3A_313 = arith.index_cast %add3A_311 : i32 to index
        %swap3A_314 = tpu.vector_load %arg7[%swap3A_312, %swap3A_313] {strides = array<i32>} : memref<16x1024xf32, #tpu.memory_space<vmem>>, vector<1x16xf32>,
        %swap3A_315 = vector.shape_cast %swap3A_314 : vector<1x16xf32> to vector<16xf32>
        %swap3A_316 = vector.shape_cast %add3A_309 : vector<16xf32> to vector<1x16xf32>
        tpu.vector_store %arg7[%swap3A_312, %swap3A_313], %swap3A_316 {strides = array<i32>} : memref<16x1024xf32, #tpu.memory_space<vmem>>, vector<1x16xf32>,
        %add3A_317 = arith.constant 32 : i32
        %add3A_318 = arith.addi %mul3A_290, %add3A_317 : i32
        %get3A_319 = arith.index_cast %shift_right_arithmetic3A_287 : i32 to index
        %get3A_320 = arith.index_cast %add3A_318 : i32 to index
        %get3A_321 = tpu.vector_load %arg7[%get3A_319, %get3A_320] {strides = array<i32>} : memref<16x1024xf32, #tpu.memory_space<vmem>>, vector<1x16xf32>,
        %get3A_322 = vector.shape_cast %get3A_321 : vector<1x16xf32> to vector<16xf32>
        %add3A_323 = arith.addf %get3A_322, %get3A_322 : vector<16xf32>
        %add3A_324 = arith.constant 32 : i32
        %add3A_325 = arith.addi %mul3A_290, %add3A_324 : i32
        %swap3A_326 = arith.index_cast %shift_right_arithmetic3A_287 : i32 to index
        %swap3A_327 = arith.index_cast %add3A_325 : i32 to index
        %swap3A_328 = tpu.vector_load %arg7[%swap3A_326, %swap3A_327] {strides = array<i32>} : memref<16x1024xf32, #tpu.memory_space<vmem>>, vector<1x16xf32>,
        %swap3A_329 = vector.shape_cast %swap3A_328 : vector<1x16xf32> to vector<16xf32>
        %swap3A_330 = vector.shape_cast %add3A_323 : vector<16xf32> to vector<1x16xf32>
        tpu.vector_store %arg7[%swap3A_326, %swap3A_327], %swap3A_330 {strides = array<i32>} : memref<16x1024xf32, #tpu.memory_space<vmem>>, vector<1x16xf32>,
        %add3A_331 = arith.constant 48 : i32
        %add3A_332 = arith.addi %mul3A_290, %add3A_331 : i32
        %get3A_333 = arith.index_cast %shift_right_arithmetic3A_287 : i32 to index
        %get3A_334 = arith.index_cast %add3A_332 : i32 to index
        %get3A_335 = tpu.vector_load %arg7[%get3A_333, %get3A_334] {strides = array<i32>} : memref<16x1024xf32, #tpu.memory_space<vmem>>, vector<1x16xf32>,
        %get3A_336 = vector.shape_cast %get3A_335 : vector<1x16xf32> to vector<16xf32>
        %add3A_337 = arith.addf %get3A_336, %get3A_336 : vector<16xf32>
        %add3A_338 = arith.constant 48 : i32
        %add3A_339 = arith.addi %mul3A_290, %add3A_338 : i32
        %swap3A_340 = arith.index_cast %shift_right_arithmetic3A_287 : i32 to index
        %swap3A_341 = arith.index_cast %add3A_339 : i32 to index
        %swap3A_342 = tpu.vector_load %arg7[%swap3A_340, %swap3A_341] {strides = array<i32>} : memref<16x1024xf32, #tpu.memory_space<vmem>>, vector<1x16xf32>,
        %swap3A_343 = vector.shape_cast %swap3A_342 : vector<1x16xf32> to vector<16xf32>
        %swap3A_344 = vector.shape_cast %add3A_337 : vector<16xf32> to vector<1x16xf32>
        tpu.vector_store %arg7[%swap3A_340, %swap3A_341], %swap3A_344 {strides = array<i32>} : memref<16x1024xf32, #tpu.memory_space<vmem>>, vector<1x16xf32>,
        %add3A_345 = arith.constant 64 : i32
        %add3A_346 = arith.addi %mul3A_290, %add3A_345 : i32
        %get3A_347 = arith.index_cast %shift_right_arithmetic3A_287 : i32 to index
        %get3A_348 = arith.index_cast %add3A_346 : i32 to index
        %get3A_349 = tpu.vector_load %arg7[%get3A_347, %get3A_348] {strides = array<i32>} : memref<16x1024xf32, #tpu.memory_space<vmem>>, vector<1x16xf32>,
        %get3A_350 = vector.shape_cast %get3A_349 : vector<1x16xf32> to vector<16xf32>
        %add3A_351 = arith.addf %get3A_350, %get3A_350 : vector<16xf32>
        %add3A_352 = arith.constant 64 : i32
        %add3A_353 = arith.addi %mul3A_290, %add3A_352 : i32
        %swap3A_354 = arith.index_cast %shift_right_arithmetic3A_287 : i32 to index
        %swap3A_355 = arith.index_cast %add3A_353 : i32 to index
        %swap3A_356 = tpu.vector_load %arg7[%swap3A_354, %swap3A_355] {strides = array<i32>} : memref<16x1024xf32, #tpu.memory_space<vmem>>, vector<1x16xf32>,
        %swap3A_357 = vector.shape_cast %swap3A_356 : vector<1x16xf32> to vector<16xf32>
        %swap3A_358 = vector.shape_cast %add3A_351 : vector<16xf32> to vector<1x16xf32>
        tpu.vector_store %arg7[%swap3A_354, %swap3A_355], %swap3A_358 {strides = array<i32>} : memref<16x1024xf32, #tpu.memory_space<vmem>>, vector<1x16xf32>,
        %add3A_359 = arith.constant 80 : i32
        %add3A_360 = arith.addi %mul3A_290, %add3A_359 : i32
        %get3A_361 = arith.index_cast %shift_right_arithmetic3A_287 : i32 to index
        %get3A_362 = arith.index_cast %add3A_360 : i32 to index
        %get3A_363 = tpu.vector_load %arg7[%get3A_361, %get3A_362] {strides = array<i32>} : memref<16x1024xf32, #tpu.memory_space<vmem>>, vector<1x16xf32>,
        %get3A_364 = vector.shape_cast %get3A_363 : vector<1x16xf32> to vector<16xf32>
        %add3A_365 = arith.addf %get3A_364, %get3A_364 : vector<16xf32>
        %add3A_366 = arith.constant 80 : i32
        %add3A_367 = arith.addi %mul3A_290, %add3A_366 : i32
        %swap3A_368 = arith.index_cast %shift_right_arithmetic3A_287 : i32 to index
        %swap3A_369 = arith.index_cast %add3A_367 : i32 to index
        %swap3A_370 = tpu.vector_load %arg7[%swap3A_368, %swap3A_369] {strides = array<i32>} : memref<16x1024xf32, #tpu.memory_space<vmem>>, vector<1x16xf32>,
        %swap3A_371 = vector.shape_cast %swap3A_370 : vector<1x16xf32> to vector<16xf32>
        %swap3A_372 = vector.shape_cast %add3A_365 : vector<16xf32> to vector<1x16xf32>
        tpu.vector_store %arg7[%swap3A_368, %swap3A_369], %swap3A_372 {strides = array<i32>} : memref<16x1024xf32, #tpu.memory_space<vmem>>, vector<1x16xf32>,
        %add3A_373 = arith.constant 96 : i32
        %add3A_374 = arith.addi %mul3A_290, %add3A_373 : i32
        %get3A_375 = arith.index_cast %shift_right_arithmetic3A_287 : i32 to index
        %get3A_376 = arith.index_cast %add3A_374 : i32 to index
        %get3A_377 = tpu.vector_load %arg7[%get3A_375, %get3A_376] {strides = array<i32>} : memref<16x1024xf32, #tpu.memory_space<vmem>>, vector<1x16xf32>,
        %get3A_378 = vector.shape_cast %get3A_377 : vector<1x16xf32> to vector<16xf32>
        %add3A_379 = arith.addf %get3A_378, %get3A_378 : vector<16xf32>
        %add3A_380 = arith.constant 96 : i32
        %add3A_381 = arith.addi %mul3A_290, %add3A_380 : i32
        %swap3A_382 = arith.index_cast %shift_right_arithmetic3A_287 : i32 to index
        %swap3A_383 = arith.index_cast %add3A_381 : i32 to index
        %swap3A_384 = tpu.vector_load %arg7[%swap3A_382, %swap3A_383] {strides = array<i32>} : memref<16x1024xf32, #tpu.memory_space<vmem>>, vector<1x16xf32>,
        %swap3A_385 = vector.shape_cast %swap3A_384 : vector<1x16xf32> to vector<16xf32>
        %swap3A_386 = vector.shape_cast %add3A_379 : vector<16xf32> to vector<1x16xf32>
        tpu.vector_store %arg7[%swap3A_382, %swap3A_383], %swap3A_386 {strides = array<i32>} : memref<16x1024xf32, #tpu.memory_space<vmem>>, vector<1x16xf32>,
        %add3A_387 = arith.constant 112 : i32
        %add3A_388 = arith.addi %mul3A_290, %add3A_387 : i32
        %get3A_389 = arith.index_cast %shift_right_arithmetic3A_287 : i32 to index
        %get3A_390 = arith.index_cast %add3A_388 : i32 to index
        %get3A_391 = tpu.vector_load %arg7[%get3A_389, %get3A_390] {strides = array<i32>} : memref<16x1024xf32, #tpu.memory_space<vmem>>, vector<1x16xf32>,
        %get3A_392 = vector.shape_cast %get3A_391 : vector<1x16xf32> to vector<16xf32>
        %add3A_393 = arith.addf %get3A_392, %get3A_392 : vector<16xf32>
        %add3A_394 = arith.constant 112 : i32
        %add3A_395 = arith.addi %mul3A_290, %add3A_394 : i32
        %swap3A_396 = arith.index_cast %shift_right_arithmetic3A_287 : i32 to index
        %swap3A_397 = arith.index_cast %add3A_395 : i32 to index
        %swap3A_398 = tpu.vector_load %arg7[%swap3A_396, %swap3A_397] {strides = array<i32>} : memref<16x1024xf32, #tpu.memory_space<vmem>>, vector<1x16xf32>,
        %swap3A_399 = vector.shape_cast %swap3A_398 : vector<1x16xf32> to vector<16xf32>
        %swap3A_400 = vector.shape_cast %add3A_393 : vector<16xf32> to vector<1x16xf32>
        tpu.vector_store %arg7[%swap3A_396, %swap3A_397], %swap3A_400 {strides = array<i32>} : memref<16x1024xf32, #tpu.memory_space<vmem>>, vector<1x16xf32>,
      }
      %scan3A_131 = arith.constant 64 : i32
      %mul3A_132 = arith.constant 16 : i32
      %mul3A_133 = arith.muli %add3A_110, %mul3A_132 : i32
      %add3A_134 = arith.addi %mul3A_2, %mul3A_133 : i32
      %add3A_135 = arith.constant 0 : i32
      %add3A_136 = arith.addi %add3A_134, %add3A_135 : i32
      %dma_start3A_137 = arith.constant 0 : i32
      %dma_start3A_138 = arith.constant 0 : i32
      %dma_start3A_139 = tpu.memref_slice %arg7[%dma_start3A_137, %dma_start3A_138] : memref<16x1024xf32, #tpu.memory_space<vmem>> -> memref<8x1024xf32, #tpu.memory_space<vmem>>
      %dma_start3A_140 = arith.constant 0 : i32
      %dma_start3A_141 = tpu.memref_slice %arg4[%add3A_136, %dma_start3A_140] : memref<8192x1024xf32, #tpu.memory_space<hbm>> -> memref<8x1024xf32, #tpu.memory_space<hbm>>
      %dma_start3A_142 = arith.constant 0 : i32
      %dma_start3A_143 = tpu.memref_slice %arg4[%add3A_136, %dma_start3A_142] : memref<8192x1024xf32, #tpu.memory_space<hbm>> -> memref<8x1024xf32, #tpu.memory_space<hbm>>
      %dma_start3A_144 = arith.constant 0 : i32
      %dma_start3A_145 = arith.constant 0 : i32
      %dma_start3A_146 = tpu.memref_slice %arg7[%dma_start3A_144, %dma_start3A_145] : memref<16x1024xf32, #tpu.memory_space<vmem>> -> memref<8x1024xf32, #tpu.memory_space<vmem>>
      tpu.enqueue_dma source(%dma_start3A_146 : memref<8x1024xf32, #tpu.memory_space<vmem>>) target(%dma_start3A_143 : memref<8x1024xf32, #tpu.memory_space<hbm>>) target_semaphore(%arg15 : memref<!tpu.dma_semaphore, #tpu.memory_space<semaphore_mem>>)
      %scan3A_147 = arith.constant 0 : i32
      %scan3A_148 = arith.constant 64 : i32
      %scan3A_149 = arith.constant 64 : i32
      %scan3A_150 = arith.addi %scan3A_148, %scan3A_149 : i32
      %scan3A_151 = arith.constant 1 : i32
      scf.for %scan3A_286 = %scan3A_148 to %scan3A_150 step %scan3A_151  : i32 {
        %shift_right_arithmetic3A = arith.constant 3 : i32
        %shift_right_arithmetic3A_287 = arith.shrsi %scan3A_286, %shift_right_arithmetic3A : i32
        %and3A = arith.constant 7 : i32
        %and3A_288 = arith.andi %scan3A_286, %and3A : i32
        %mul3A_289 = arith.constant 128 : i32
        %mul3A_290 = arith.muli %and3A_288, %mul3A_289 : i32
        %add3A_291 = arith.constant 0 : i32
        %add3A_292 = arith.addi %mul3A_290, %add3A_291 : i32
        %get3A = arith.index_cast %shift_right_arithmetic3A_287 : i32 to index
        %get3A_293 = arith.index_cast %add3A_292 : i32 to index
        %get3A_294 = tpu.vector_load %arg7[%get3A, %get3A_293] {strides = array<i32>} : memref<16x1024xf32, #tpu.memory_space<vmem>>, vector<1x16xf32>,
        %get3A_295 = vector.shape_cast %get3A_294 : vector<1x16xf32> to vector<16xf32>
        %add3A_296 = arith.addf %get3A_295, %get3A_295 : vector<16xf32>
        %add3A_297 = arith.constant 0 : i32
        %add3A_298 = arith.addi %mul3A_290, %add3A_297 : i32
        %swap3A = arith.index_cast %shift_right_arithmetic3A_287 : i32 to index
        %swap3A_299 = arith.index_cast %add3A_298 : i32 to index
        %swap3A_300 = tpu.vector_load %arg7[%swap3A, %swap3A_299] {strides = array<i32>} : memref<16x1024xf32, #tpu.memory_space<vmem>>, vector<1x16xf32>,
        %swap3A_301 = vector.shape_cast %swap3A_300 : vector<1x16xf32> to vector<16xf32>
        %swap3A_302 = vector.shape_cast %add3A_296 : vector<16xf32> to vector<1x16xf32>
        tpu.vector_store %arg7[%swap3A, %swap3A_299], %swap3A_302 {strides = array<i32>} : memref<16x1024xf32, #tpu.memory_space<vmem>>, vector<1x16xf32>,
        %add3A_303 = arith.constant 16 : i32
        %add3A_304 = arith.addi %mul3A_290, %add3A_303 : i32
        %get3A_305 = arith.index_cast %shift_right_arithmetic3A_287 : i32 to index
        %get3A_306 = arith.index_cast %add3A_304 : i32 to index
        %get3A_307 = tpu.vector_load %arg7[%get3A_305, %get3A_306] {strides = array<i32>} : memref<16x1024xf32, #tpu.memory_space<vmem>>, vector<1x16xf32>,
        %get3A_308 = vector.shape_cast %get3A_307 : vector<1x16xf32> to vector<16xf32>
        %add3A_309 = arith.addf %get3A_308, %get3A_308 : vector<16xf32>
        %add3A_310 = arith.constant 16 : i32
        %add3A_311 = arith.addi %mul3A_290, %add3A_310 : i32
        %swap3A_312 = arith.index_cast %shift_right_arithmetic3A_287 : i32 to index
        %swap3A_313 = arith.index_cast %add3A_311 : i32 to index
        %swap3A_314 = tpu.vector_load %arg7[%swap3A_312, %swap3A_313] {strides = array<i32>} : memref<16x1024xf32, #tpu.memory_space<vmem>>, vector<1x16xf32>,
        %swap3A_315 = vector.shape_cast %swap3A_314 : vector<1x16xf32> to vector<16xf32>
        %swap3A_316 = vector.shape_cast %add3A_309 : vector<16xf32> to vector<1x16xf32>
        tpu.vector_store %arg7[%swap3A_312, %swap3A_313], %swap3A_316 {strides = array<i32>} : memref<16x1024xf32, #tpu.memory_space<vmem>>, vector<1x16xf32>,
        %add3A_317 = arith.constant 32 : i32
        %add3A_318 = arith.addi %mul3A_290, %add3A_317 : i32
        %get3A_319 = arith.index_cast %shift_right_arithmetic3A_287 : i32 to index
        %get3A_320 = arith.index_cast %add3A_318 : i32 to index
        %get3A_321 = tpu.vector_load %arg7[%get3A_319, %get3A_320] {strides = array<i32>} : memref<16x1024xf32, #tpu.memory_space<vmem>>, vector<1x16xf32>,
        %get3A_322 = vector.shape_cast %get3A_321 : vector<1x16xf32> to vector<16xf32>
        %add3A_323 = arith.addf %get3A_322, %get3A_322 : vector<16xf32>
        %add3A_324 = arith.constant 32 : i32
        %add3A_325 = arith.addi %mul3A_290, %add3A_324 : i32
        %swap3A_326 = arith.index_cast %shift_right_arithmetic3A_287 : i32 to index
        %swap3A_327 = arith.index_cast %add3A_325 : i32 to index
        %swap3A_328 = tpu.vector_load %arg7[%swap3A_326, %swap3A_327] {strides = array<i32>} : memref<16x1024xf32, #tpu.memory_space<vmem>>, vector<1x16xf32>,
        %swap3A_329 = vector.shape_cast %swap3A_328 : vector<1x16xf32> to vector<16xf32>
        %swap3A_330 = vector.shape_cast %add3A_323 : vector<16xf32> to vector<1x16xf32>
        tpu.vector_store %arg7[%swap3A_326, %swap3A_327], %swap3A_330 {strides = array<i32>} : memref<16x1024xf32, #tpu.memory_space<vmem>>, vector<1x16xf32>,
        %add3A_331 = arith.constant 48 : i32
        %add3A_332 = arith.addi %mul3A_290, %add3A_331 : i32
        %get3A_333 = arith.index_cast %shift_right_arithmetic3A_287 : i32 to index
        %get3A_334 = arith.index_cast %add3A_332 : i32 to index
        %get3A_335 = tpu.vector_load %arg7[%get3A_333, %get3A_334] {strides = array<i32>} : memref<16x1024xf32, #tpu.memory_space<vmem>>, vector<1x16xf32>,
        %get3A_336 = vector.shape_cast %get3A_335 : vector<1x16xf32> to vector<16xf32>
        %add3A_337 = arith.addf %get3A_336, %get3A_336 : vector<16xf32>
        %add3A_338 = arith.constant 48 : i32
        %add3A_339 = arith.addi %mul3A_290, %add3A_338 : i32
        %swap3A_340 = arith.index_cast %shift_right_arithmetic3A_287 : i32 to index
        %swap3A_341 = arith.index_cast %add3A_339 : i32 to index
        %swap3A_342 = tpu.vector_load %arg7[%swap3A_340, %swap3A_341] {strides = array<i32>} : memref<16x1024xf32, #tpu.memory_space<vmem>>, vector<1x16xf32>,
        %swap3A_343 = vector.shape_cast %swap3A_342 : vector<1x16xf32> to vector<16xf32>
        %swap3A_344 = vector.shape_cast %add3A_337 : vector<16xf32> to vector<1x16xf32>
        tpu.vector_store %arg7[%swap3A_340, %swap3A_341], %swap3A_344 {strides = array<i32>} : memref<16x1024xf32, #tpu.memory_space<vmem>>, vector<1x16xf32>,
        %add3A_345 = arith.constant 64 : i32
        %add3A_346 = arith.addi %mul3A_290, %add3A_345 : i32
        %get3A_347 = arith.index_cast %shift_right_arithmetic3A_287 : i32 to index
        %get3A_348 = arith.index_cast %add3A_346 : i32 to index
        %get3A_349 = tpu.vector_load %arg7[%get3A_347, %get3A_348] {strides = array<i32>} : memref<16x1024xf32, #tpu.memory_space<vmem>>, vector<1x16xf32>,
        %get3A_350 = vector.shape_cast %get3A_349 : vector<1x16xf32> to vector<16xf32>
        %add3A_351 = arith.addf %get3A_350, %get3A_350 : vector<16xf32>
        %add3A_352 = arith.constant 64 : i32
        %add3A_353 = arith.addi %mul3A_290, %add3A_352 : i32
        %swap3A_354 = arith.index_cast %shift_right_arithmetic3A_287 : i32 to index
        %swap3A_355 = arith.index_cast %add3A_353 : i32 to index
        %swap3A_356 = tpu.vector_load %arg7[%swap3A_354, %swap3A_355] {strides = array<i32>} : memref<16x1024xf32, #tpu.memory_space<vmem>>, vector<1x16xf32>,
        %swap3A_357 = vector.shape_cast %swap3A_356 : vector<1x16xf32> to vector<16xf32>
        %swap3A_358 = vector.shape_cast %add3A_351 : vector<16xf32> to vector<1x16xf32>
        tpu.vector_store %arg7[%swap3A_354, %swap3A_355], %swap3A_358 {strides = array<i32>} : memref<16x1024xf32, #tpu.memory_space<vmem>>, vector<1x16xf32>,
        %add3A_359 = arith.constant 80 : i32
        %add3A_360 = arith.addi %mul3A_290, %add3A_359 : i32
        %get3A_361 = arith.index_cast %shift_right_arithmetic3A_287 : i32 to index
        %get3A_362 = arith.index_cast %add3A_360 : i32 to index
        %get3A_363 = tpu.vector_load %arg7[%get3A_361, %get3A_362] {strides = array<i32>} : memref<16x1024xf32, #tpu.memory_space<vmem>>, vector<1x16xf32>,
        %get3A_364 = vector.shape_cast %get3A_363 : vector<1x16xf32> to vector<16xf32>
        %add3A_365 = arith.addf %get3A_364, %get3A_364 : vector<16xf32>
        %add3A_366 = arith.constant 80 : i32
        %add3A_367 = arith.addi %mul3A_290, %add3A_366 : i32
        %swap3A_368 = arith.index_cast %shift_right_arithmetic3A_287 : i32 to index
        %swap3A_369 = arith.index_cast %add3A_367 : i32 to index
        %swap3A_370 = tpu.vector_load %arg7[%swap3A_368, %swap3A_369] {strides = array<i32>} : memref<16x1024xf32, #tpu.memory_space<vmem>>, vector<1x16xf32>,
        %swap3A_371 = vector.shape_cast %swap3A_370 : vector<1x16xf32> to vector<16xf32>
        %swap3A_372 = vector.shape_cast %add3A_365 : vector<16xf32> to vector<1x16xf32>
        tpu.vector_store %arg7[%swap3A_368, %swap3A_369], %swap3A_372 {strides = array<i32>} : memref<16x1024xf32, #tpu.memory_space<vmem>>, vector<1x16xf32>,
        %add3A_373 = arith.constant 96 : i32
        %add3A_374 = arith.addi %mul3A_290, %add3A_373 : i32
        %get3A_375 = arith.index_cast %shift_right_arithmetic3A_287 : i32 to index
        %get3A_376 = arith.index_cast %add3A_374 : i32 to index
        %get3A_377 = tpu.vector_load %arg7[%get3A_375, %get3A_376] {strides = array<i32>} : memref<16x1024xf32, #tpu.memory_space<vmem>>, vector<1x16xf32>,
        %get3A_378 = vector.shape_cast %get3A_377 : vector<1x16xf32> to vector<16xf32>
        %add3A_379 = arith.addf %get3A_378, %get3A_378 : vector<16xf32>
        %add3A_380 = arith.constant 96 : i32
        %add3A_381 = arith.addi %mul3A_290, %add3A_380 : i32
        %swap3A_382 = arith.index_cast %shift_right_arithmetic3A_287 : i32 to index
        %swap3A_383 = arith.index_cast %add3A_381 : i32 to index
        %swap3A_384 = tpu.vector_load %arg7[%swap3A_382, %swap3A_383] {strides = array<i32>} : memref<16x1024xf32, #tpu.memory_space<vmem>>, vector<1x16xf32>,
        %swap3A_385 = vector.shape_cast %swap3A_384 : vector<1x16xf32> to vector<16xf32>
        %swap3A_386 = vector.shape_cast %add3A_379 : vector<16xf32> to vector<1x16xf32>
        tpu.vector_store %arg7[%swap3A_382, %swap3A_383], %swap3A_386 {strides = array<i32>} : memref<16x1024xf32, #tpu.memory_space<vmem>>, vector<1x16xf32>,
        %add3A_387 = arith.constant 112 : i32
        %add3A_388 = arith.addi %mul3A_290, %add3A_387 : i32
        %get3A_389 = arith.index_cast %shift_right_arithmetic3A_287 : i32 to index
        %get3A_390 = arith.index_cast %add3A_388 : i32 to index
        %get3A_391 = tpu.vector_load %arg7[%get3A_389, %get3A_390] {strides = array<i32>} : memref<16x1024xf32, #tpu.memory_space<vmem>>, vector<1x16xf32>,
        %get3A_392 = vector.shape_cast %get3A_391 : vector<1x16xf32> to vector<16xf32>
        %add3A_393 = arith.addf %get3A_392, %get3A_392 : vector<16xf32>
        %add3A_394 = arith.constant 112 : i32
        %add3A_395 = arith.addi %mul3A_290, %add3A_394 : i32
        %swap3A_396 = arith.index_cast %shift_right_arithmetic3A_287 : i32 to index
        %swap3A_397 = arith.index_cast %add3A_395 : i32 to index
        %swap3A_398 = tpu.vector_load %arg7[%swap3A_396, %swap3A_397] {strides = array<i32>} : memref<16x1024xf32, #tpu.memory_space<vmem>>, vector<1x16xf32>,
        %swap3A_399 = vector.shape_cast %swap3A_398 : vector<1x16xf32> to vector<16xf32>
        %swap3A_400 = vector.shape_cast %add3A_393 : vector<16xf32> to vector<1x16xf32>
        tpu.vector_store %arg7[%swap3A_396, %swap3A_397], %swap3A_400 {strides = array<i32>} : memref<16x1024xf32, #tpu.memory_space<vmem>>, vector<1x16xf32>,
      }
      %scan3A_152 = arith.constant 64 : i32
      %mul3A_153 = arith.constant 16 : i32
      %mul3A_154 = arith.muli %add3A_110, %mul3A_153 : i32
      %add3A_155 = arith.addi %mul3A_2, %mul3A_154 : i32
      %add3A_156 = arith.constant 8 : i32
      %add3A_157 = arith.addi %add3A_155, %add3A_156 : i32
      %dma_start3A_158 = arith.constant 8 : i32
      %dma_start3A_159 = arith.constant 0 : i32
      %dma_start3A_160 = tpu.memref_slice %arg7[%dma_start3A_158, %dma_start3A_159] : memref<16x1024xf32, #tpu.memory_space<vmem>> -> memref<8x1024xf32, #tpu.memory_space<vmem>>
      %dma_start3A_161 = arith.constant 0 : i32
      %dma_start3A_162 = tpu.memref_slice %arg4[%add3A_157, %dma_start3A_161] : memref<8192x1024xf32, #tpu.memory_space<hbm>> -> memref<8x1024xf32, #tpu.memory_space<hbm>>
      %dma_start3A_163 = arith.constant 0 : i32
      %dma_start3A_164 = tpu.memref_slice %arg4[%add3A_157, %dma_start3A_163] : memref<8192x1024xf32, #tpu.memory_space<hbm>> -> memref<8x1024xf32, #tpu.memory_space<hbm>>
      %dma_start3A_165 = arith.constant 8 : i32
      %dma_start3A_166 = arith.constant 0 : i32
      %dma_start3A_167 = tpu.memref_slice %arg7[%dma_start3A_165, %dma_start3A_166] : memref<16x1024xf32, #tpu.memory_space<vmem>> -> memref<8x1024xf32, #tpu.memory_space<vmem>>
      tpu.enqueue_dma source(%dma_start3A_167 : memref<8x1024xf32, #tpu.memory_space<vmem>>) target(%dma_start3A_164 : memref<8x1024xf32, #tpu.memory_space<hbm>>) target_semaphore(%arg15 : memref<!tpu.dma_semaphore, #tpu.memory_space<semaphore_mem>>)
      %add3A_168 = arith.constant 2 : i32
      %add3A_169 = arith.addi %mul3A_53, %add3A_168 : i32
      %add3A_170 = arith.constant 4 : i32
      %add3A_171 = arith.addi %add3A_169, %add3A_170 : i32
      %sub3A_172 = arith.constant 1 : i32
      %sub3A_173 = arith.subi %add3A_171, %sub3A_172 : i32
      %lt3A_174 = arith.constant 16 : i32
      %lt3A_175 = arith.cmpi slt, %sub3A_173, %lt3A_174 : i32
      %convert_element_type3A_176 = arith.extui %lt3A_175 : i1 to i32
      %cond3A_177 = arith.constant 0 : i32
      %cond3A_178 = arith.cmpi ne, %convert_element_type3A_176, %cond3A_177 : i32
      scf.if %cond3A_178 {
        %ge3A = arith.constant 1 : i32
        %ge3A_286 = arith.cmpi sge, %add3A_169, %ge3A : i32
        %convert_element_type3A_287 = arith.extui %ge3A_286 : i1 to i32
        %cond3A_288 = arith.constant 0 : i32
        %cond3A_289 = arith.cmpi ne, %convert_element_type3A_287, %cond3A_288 : i32
        scf.if %cond3A_289 {
          %dma_wait3A_300 = arith.constant 0 : i32
          %dma_wait3A_301 = tpu.memref_slice %arg4[%mul3A_2, %dma_wait3A_300] : memref<8192x1024xf32, #tpu.memory_space<hbm>> -> memref<16x1024xf32, #tpu.memory_space<hbm>>
          %dma_wait3A_302 = arith.constant 0 : i32
          %dma_wait3A_303 = tpu.memref_slice %arg4[%mul3A_2, %dma_wait3A_302] : memref<8192x1024xf32, #tpu.memory_space<hbm>> -> memref<16x1024xf32, #tpu.memory_space<hbm>>
          tpu.wait_dma2 semaphore(%arg15 : memref<!tpu.dma_semaphore, #tpu.memory_space<semaphore_mem>>) src(%arg7 : memref<16x1024xf32, #tpu.memory_space<vmem>>) dst(%dma_wait3A_303 : memref<16x1024xf32, #tpu.memory_space<hbm>>)
        } else {
        }
        %add3A_290 = arith.constant 4 : i32
        %add3A_291 = arith.addi %add3A_169, %add3A_290 : i32
        %sub3A_292 = arith.constant 1 : i32
        %sub3A_293 = arith.subi %add3A_291, %sub3A_292 : i32
        %mul3A_294 = arith.constant 16 : i32
        %mul3A_295 = arith.muli %sub3A_293, %mul3A_294 : i32
        %dma_start3A_296 = tpu.memref_slice %arg5[%mul3A_295] : memref<256xi32, #tpu.memory_space<vmem>> -> memref<16xi32, #tpu.memory_space<vmem>>
        %dma_start3A_297 = arith.constant 0 : i32
        %dma_start3A_298 = arith.constant 0 : i32
        %dma_start3A_299 = tpu.memref_slice %arg2[%dma_start3A_297, %dma_start3A_298] : memref<100000x1024xf32, #tpu.memory_space<hbm>> -> memref<100000x1024xf32, #tpu.memory_space<hbm>>
        tpu.enqueue_indirect_dma source(%dma_start3A_299 : memref<100000x1024xf32, #tpu.memory_space<hbm>>) target(%arg7 : memref<16x1024xf32, #tpu.memory_space<vmem>>) offsets(%dma_start3A_296 : memref<16xi32, #tpu.memory_space<vmem>>) semaphore(%arg11 : memref<!tpu.dma_semaphore, #tpu.memory_space<semaphore_mem>>)
      } else {
      }
      %mul3A_179 = arith.constant 16 : i32
      %mul3A_180 = arith.muli %add3A_169, %mul3A_179 : i32
      %dma_wait3A_181 = tpu.memref_slice %arg5[%mul3A_180] : memref<256xi32, #tpu.memory_space<vmem>> -> memref<16xi32, #tpu.memory_space<vmem>>
      %dma_wait3A_182 = arith.constant 0 : i32
      %dma_wait3A_183 = arith.constant 0 : i32
      %dma_wait3A_184 = tpu.memref_slice %arg2[%dma_wait3A_182, %dma_wait3A_183] : memref<100000x1024xf32, #tpu.memory_space<hbm>> -> memref<100000x1024xf32, #tpu.memory_space<hbm>>
      tpu.wait_indirect_dma semaphore(%arg12 : memref<!tpu.dma_semaphore, #tpu.memory_space<semaphore_mem>>) src(%dma_wait3A_184 : memref<100000x1024xf32, #tpu.memory_space<hbm>>) dst(%arg8 : memref<16x1024xf32, #tpu.memory_space<vmem>>)
      %scan3A_185 = arith.constant 0 : i32
      %scan3A_186 = arith.constant 0 : i32
      %scan3A_187 = arith.constant 64 : i32
      %scan3A_188 = arith.addi %scan3A_186, %scan3A_187 : i32
      %scan3A_189 = arith.constant 1 : i32
      scf.for %scan3A_286 = %scan3A_186 to %scan3A_188 step %scan3A_189  : i32 {
        %shift_right_arithmetic3A = arith.constant 3 : i32
        %shift_right_arithmetic3A_287 = arith.shrsi %scan3A_286, %shift_right_arithmetic3A : i32
        %and3A = arith.constant 7 : i32
        %and3A_288 = arith.andi %scan3A_286, %and3A : i32
        %mul3A_289 = arith.constant 128 : i32
        %mul3A_290 = arith.muli %and3A_288, %mul3A_289 : i32
        %add3A_291 = arith.constant 0 : i32
        %add3A_292 = arith.addi %mul3A_290, %add3A_291 : i32
        %get3A = arith.index_cast %shift_right_arithmetic3A_287 : i32 to index
        %get3A_293 = arith.index_cast %add3A_292 : i32 to index
        %get3A_294 = tpu.vector_load %arg8[%get3A, %get3A_293] {strides = array<i32>} : memref<16x1024xf32, #tpu.memory_space<vmem>>, vector<1x16xf32>,
        %get3A_295 = vector.shape_cast %get3A_294 : vector<1x16xf32> to vector<16xf32>
        %add3A_296 = arith.addf %get3A_295, %get3A_295 : vector<16xf32>
        %add3A_297 = arith.constant 0 : i32
        %add3A_298 = arith.addi %mul3A_290, %add3A_297 : i32
        %swap3A = arith.index_cast %shift_right_arithmetic3A_287 : i32 to index
        %swap3A_299 = arith.index_cast %add3A_298 : i32 to index
        %swap3A_300 = tpu.vector_load %arg8[%swap3A, %swap3A_299] {strides = array<i32>} : memref<16x1024xf32, #tpu.memory_space<vmem>>, vector<1x16xf32>,
        %swap3A_301 = vector.shape_cast %swap3A_300 : vector<1x16xf32> to vector<16xf32>
        %swap3A_302 = vector.shape_cast %add3A_296 : vector<16xf32> to vector<1x16xf32>
        tpu.vector_store %arg8[%swap3A, %swap3A_299], %swap3A_302 {strides = array<i32>} : memref<16x1024xf32, #tpu.memory_space<vmem>>, vector<1x16xf32>,
        %add3A_303 = arith.constant 16 : i32
        %add3A_304 = arith.addi %mul3A_290, %add3A_303 : i32
        %get3A_305 = arith.index_cast %shift_right_arithmetic3A_287 : i32 to index
        %get3A_306 = arith.index_cast %add3A_304 : i32 to index
        %get3A_307 = tpu.vector_load %arg8[%get3A_305, %get3A_306] {strides = array<i32>} : memref<16x1024xf32, #tpu.memory_space<vmem>>, vector<1x16xf32>,
        %get3A_308 = vector.shape_cast %get3A_307 : vector<1x16xf32> to vector<16xf32>
        %add3A_309 = arith.addf %get3A_308, %get3A_308 : vector<16xf32>
        %add3A_310 = arith.constant 16 : i32
        %add3A_311 = arith.addi %mul3A_290, %add3A_310 : i32
        %swap3A_312 = arith.index_cast %shift_right_arithmetic3A_287 : i32 to index
        %swap3A_313 = arith.index_cast %add3A_311 : i32 to index
        %swap3A_314 = tpu.vector_load %arg8[%swap3A_312, %swap3A_313] {strides = array<i32>} : memref<16x1024xf32, #tpu.memory_space<vmem>>, vector<1x16xf32>,
        %swap3A_315 = vector.shape_cast %swap3A_314 : vector<1x16xf32> to vector<16xf32>
        %swap3A_316 = vector.shape_cast %add3A_309 : vector<16xf32> to vector<1x16xf32>
        tpu.vector_store %arg8[%swap3A_312, %swap3A_313], %swap3A_316 {strides = array<i32>} : memref<16x1024xf32, #tpu.memory_space<vmem>>, vector<1x16xf32>,
        %add3A_317 = arith.constant 32 : i32
        %add3A_318 = arith.addi %mul3A_290, %add3A_317 : i32
        %get3A_319 = arith.index_cast %shift_right_arithmetic3A_287 : i32 to index
        %get3A_320 = arith.index_cast %add3A_318 : i32 to index
        %get3A_321 = tpu.vector_load %arg8[%get3A_319, %get3A_320] {strides = array<i32>} : memref<16x1024xf32, #tpu.memory_space<vmem>>, vector<1x16xf32>,
        %get3A_322 = vector.shape_cast %get3A_321 : vector<1x16xf32> to vector<16xf32>
        %add3A_323 = arith.addf %get3A_322, %get3A_322 : vector<16xf32>
        %add3A_324 = arith.constant 32 : i32
        %add3A_325 = arith.addi %mul3A_290, %add3A_324 : i32
        %swap3A_326 = arith.index_cast %shift_right_arithmetic3A_287 : i32 to index
        %swap3A_327 = arith.index_cast %add3A_325 : i32 to index
        %swap3A_328 = tpu.vector_load %arg8[%swap3A_326, %swap3A_327] {strides = array<i32>} : memref<16x1024xf32, #tpu.memory_space<vmem>>, vector<1x16xf32>,
        %swap3A_329 = vector.shape_cast %swap3A_328 : vector<1x16xf32> to vector<16xf32>
        %swap3A_330 = vector.shape_cast %add3A_323 : vector<16xf32> to vector<1x16xf32>
        tpu.vector_store %arg8[%swap3A_326, %swap3A_327], %swap3A_330 {strides = array<i32>} : memref<16x1024xf32, #tpu.memory_space<vmem>>, vector<1x16xf32>,
        %add3A_331 = arith.constant 48 : i32
        %add3A_332 = arith.addi %mul3A_290, %add3A_331 : i32
        %get3A_333 = arith.index_cast %shift_right_arithmetic3A_287 : i32 to index
        %get3A_334 = arith.index_cast %add3A_332 : i32 to index
        %get3A_335 = tpu.vector_load %arg8[%get3A_333, %get3A_334] {strides = array<i32>} : memref<16x1024xf32, #tpu.memory_space<vmem>>, vector<1x16xf32>,
        %get3A_336 = vector.shape_cast %get3A_335 : vector<1x16xf32> to vector<16xf32>
        %add3A_337 = arith.addf %get3A_336, %get3A_336 : vector<16xf32>
        %add3A_338 = arith.constant 48 : i32
        %add3A_339 = arith.addi %mul3A_290, %add3A_338 : i32
        %swap3A_340 = arith.index_cast %shift_right_arithmetic3A_287 : i32 to index
        %swap3A_341 = arith.index_cast %add3A_339 : i32 to index
        %swap3A_342 = tpu.vector_load %arg8[%swap3A_340, %swap3A_341] {strides = array<i32>} : memref<16x1024xf32, #tpu.memory_space<vmem>>, vector<1x16xf32>,
        %swap3A_343 = vector.shape_cast %swap3A_342 : vector<1x16xf32> to vector<16xf32>
        %swap3A_344 = vector.shape_cast %add3A_337 : vector<16xf32> to vector<1x16xf32>
        tpu.vector_store %arg8[%swap3A_340, %swap3A_341], %swap3A_344 {strides = array<i32>} : memref<16x1024xf32, #tpu.memory_space<vmem>>, vector<1x16xf32>,
        %add3A_345 = arith.constant 64 : i32
        %add3A_346 = arith.addi %mul3A_290, %add3A_345 : i32
        %get3A_347 = arith.index_cast %shift_right_arithmetic3A_287 : i32 to index
        %get3A_348 = arith.index_cast %add3A_346 : i32 to index
        %get3A_349 = tpu.vector_load %arg8[%get3A_347, %get3A_348] {strides = array<i32>} : memref<16x1024xf32, #tpu.memory_space<vmem>>, vector<1x16xf32>,
        %get3A_350 = vector.shape_cast %get3A_349 : vector<1x16xf32> to vector<16xf32>
        %add3A_351 = arith.addf %get3A_350, %get3A_350 : vector<16xf32>
        %add3A_352 = arith.constant 64 : i32
        %add3A_353 = arith.addi %mul3A_290, %add3A_352 : i32
        %swap3A_354 = arith.index_cast %shift_right_arithmetic3A_287 : i32 to index
        %swap3A_355 = arith.index_cast %add3A_353 : i32 to index
        %swap3A_356 = tpu.vector_load %arg8[%swap3A_354, %swap3A_355] {strides = array<i32>} : memref<16x1024xf32, #tpu.memory_space<vmem>>, vector<1x16xf32>,
        %swap3A_357 = vector.shape_cast %swap3A_356 : vector<1x16xf32> to vector<16xf32>
        %swap3A_358 = vector.shape_cast %add3A_351 : vector<16xf32> to vector<1x16xf32>
        tpu.vector_store %arg8[%swap3A_354, %swap3A_355], %swap3A_358 {strides = array<i32>} : memref<16x1024xf32, #tpu.memory_space<vmem>>, vector<1x16xf32>,
        %add3A_359 = arith.constant 80 : i32
        %add3A_360 = arith.addi %mul3A_290, %add3A_359 : i32
        %get3A_361 = arith.index_cast %shift_right_arithmetic3A_287 : i32 to index
        %get3A_362 = arith.index_cast %add3A_360 : i32 to index
        %get3A_363 = tpu.vector_load %arg8[%get3A_361, %get3A_362] {strides = array<i32>} : memref<16x1024xf32, #tpu.memory_space<vmem>>, vector<1x16xf32>,
        %get3A_364 = vector.shape_cast %get3A_363 : vector<1x16xf32> to vector<16xf32>
        %add3A_365 = arith.addf %get3A_364, %get3A_364 : vector<16xf32>
        %add3A_366 = arith.constant 80 : i32
        %add3A_367 = arith.addi %mul3A_290, %add3A_366 : i32
        %swap3A_368 = arith.index_cast %shift_right_arithmetic3A_287 : i32 to index
        %swap3A_369 = arith.index_cast %add3A_367 : i32 to index
        %swap3A_370 = tpu.vector_load %arg8[%swap3A_368, %swap3A_369] {strides = array<i32>} : memref<16x1024xf32, #tpu.memory_space<vmem>>, vector<1x16xf32>,
        %swap3A_371 = vector.shape_cast %swap3A_370 : vector<1x16xf32> to vector<16xf32>
        %swap3A_372 = vector.shape_cast %add3A_365 : vector<16xf32> to vector<1x16xf32>
        tpu.vector_store %arg8[%swap3A_368, %swap3A_369], %swap3A_372 {strides = array<i32>} : memref<16x1024xf32, #tpu.memory_space<vmem>>, vector<1x16xf32>,
        %add3A_373 = arith.constant 96 : i32
        %add3A_374 = arith.addi %mul3A_290, %add3A_373 : i32
        %get3A_375 = arith.index_cast %shift_right_arithmetic3A_287 : i32 to index
        %get3A_376 = arith.index_cast %add3A_374 : i32 to index
        %get3A_377 = tpu.vector_load %arg8[%get3A_375, %get3A_376] {strides = array<i32>} : memref<16x1024xf32, #tpu.memory_space<vmem>>, vector<1x16xf32>,
        %get3A_378 = vector.shape_cast %get3A_377 : vector<1x16xf32> to vector<16xf32>
        %add3A_379 = arith.addf %get3A_378, %get3A_378 : vector<16xf32>
        %add3A_380 = arith.constant 96 : i32
        %add3A_381 = arith.addi %mul3A_290, %add3A_380 : i32
        %swap3A_382 = arith.index_cast %shift_right_arithmetic3A_287 : i32 to index
        %swap3A_383 = arith.index_cast %add3A_381 : i32 to index
        %swap3A_384 = tpu.vector_load %arg8[%swap3A_382, %swap3A_383] {strides = array<i32>} : memref<16x1024xf32, #tpu.memory_space<vmem>>, vector<1x16xf32>,
        %swap3A_385 = vector.shape_cast %swap3A_384 : vector<1x16xf32> to vector<16xf32>
        %swap3A_386 = vector.shape_cast %add3A_379 : vector<16xf32> to vector<1x16xf32>
        tpu.vector_store %arg8[%swap3A_382, %swap3A_383], %swap3A_386 {strides = array<i32>} : memref<16x1024xf32, #tpu.memory_space<vmem>>, vector<1x16xf32>,
        %add3A_387 = arith.constant 112 : i32
        %add3A_388 = arith.addi %mul3A_290, %add3A_387 : i32
        %get3A_389 = arith.index_cast %shift_right_arithmetic3A_287 : i32 to index
        %get3A_390 = arith.index_cast %add3A_388 : i32 to index
        %get3A_391 = tpu.vector_load %arg8[%get3A_389, %get3A_390] {strides = array<i32>} : memref<16x1024xf32, #tpu.memory_space<vmem>>, vector<1x16xf32>,
        %get3A_392 = vector.shape_cast %get3A_391 : vector<1x16xf32> to vector<16xf32>
        %add3A_393 = arith.addf %get3A_392, %get3A_392 : vector<16xf32>
        %add3A_394 = arith.constant 112 : i32
        %add3A_395 = arith.addi %mul3A_290, %add3A_394 : i32
        %swap3A_396 = arith.index_cast %shift_right_arithmetic3A_287 : i32 to index
        %swap3A_397 = arith.index_cast %add3A_395 : i32 to index
        %swap3A_398 = tpu.vector_load %arg8[%swap3A_396, %swap3A_397] {strides = array<i32>} : memref<16x1024xf32, #tpu.memory_space<vmem>>, vector<1x16xf32>,
        %swap3A_399 = vector.shape_cast %swap3A_398 : vector<1x16xf32> to vector<16xf32>
        %swap3A_400 = vector.shape_cast %add3A_393 : vector<16xf32> to vector<1x16xf32>
        tpu.vector_store %arg8[%swap3A_396, %swap3A_397], %swap3A_400 {strides = array<i32>} : memref<16x1024xf32, #tpu.memory_space<vmem>>, vector<1x16xf32>,
      }
      %scan3A_190 = arith.constant 64 : i32
      %mul3A_191 = arith.constant 16 : i32
      %mul3A_192 = arith.muli %add3A_169, %mul3A_191 : i32
      %add3A_193 = arith.addi %mul3A_2, %mul3A_192 : i32
      %add3A_194 = arith.constant 0 : i32
      %add3A_195 = arith.addi %add3A_193, %add3A_194 : i32
      %dma_start3A_196 = arith.constant 0 : i32
      %dma_start3A_197 = arith.constant 0 : i32
      %dma_start3A_198 = tpu.memref_slice %arg8[%dma_start3A_196, %dma_start3A_197] : memref<16x1024xf32, #tpu.memory_space<vmem>> -> memref<8x1024xf32, #tpu.memory_space<vmem>>
      %dma_start3A_199 = arith.constant 0 : i32
      %dma_start3A_200 = tpu.memref_slice %arg4[%add3A_195, %dma_start3A_199] : memref<8192x1024xf32, #tpu.memory_space<hbm>> -> memref<8x1024xf32, #tpu.memory_space<hbm>>
      %dma_start3A_201 = arith.constant 0 : i32
      %dma_start3A_202 = tpu.memref_slice %arg4[%add3A_195, %dma_start3A_201] : memref<8192x1024xf32, #tpu.memory_space<hbm>> -> memref<8x1024xf32, #tpu.memory_space<hbm>>
      %dma_start3A_203 = arith.constant 0 : i32
      %dma_start3A_204 = arith.constant 0 : i32
      %dma_start3A_205 = tpu.memref_slice %arg8[%dma_start3A_203, %dma_start3A_204] : memref<16x1024xf32, #tpu.memory_space<vmem>> -> memref<8x1024xf32, #tpu.memory_space<vmem>>
      tpu.enqueue_dma source(%dma_start3A_205 : memref<8x1024xf32, #tpu.memory_space<vmem>>) target(%dma_start3A_202 : memref<8x1024xf32, #tpu.memory_space<hbm>>) target_semaphore(%arg16 : memref<!tpu.dma_semaphore, #tpu.memory_space<semaphore_mem>>)
      %scan3A_206 = arith.constant 0 : i32
      %scan3A_207 = arith.constant 64 : i32
      %scan3A_208 = arith.constant 64 : i32
      %scan3A_209 = arith.addi %scan3A_207, %scan3A_208 : i32
      %scan3A_210 = arith.constant 1 : i32
      scf.for %scan3A_286 = %scan3A_207 to %scan3A_209 step %scan3A_210  : i32 {
        %shift_right_arithmetic3A = arith.constant 3 : i32
        %shift_right_arithmetic3A_287 = arith.shrsi %scan3A_286, %shift_right_arithmetic3A : i32
        %and3A = arith.constant 7 : i32
        %and3A_288 = arith.andi %scan3A_286, %and3A : i32
        %mul3A_289 = arith.constant 128 : i32
        %mul3A_290 = arith.muli %and3A_288, %mul3A_289 : i32
        %add3A_291 = arith.constant 0 : i32
        %add3A_292 = arith.addi %mul3A_290, %add3A_291 : i32
        %get3A = arith.index_cast %shift_right_arithmetic3A_287 : i32 to index
        %get3A_293 = arith.index_cast %add3A_292 : i32 to index
        %get3A_294 = tpu.vector_load %arg8[%get3A, %get3A_293] {strides = array<i32>} : memref<16x1024xf32, #tpu.memory_space<vmem>>, vector<1x16xf32>,
        %get3A_295 = vector.shape_cast %get3A_294 : vector<1x16xf32> to vector<16xf32>
        %add3A_296 = arith.addf %get3A_295, %get3A_295 : vector<16xf32>
        %add3A_297 = arith.constant 0 : i32
        %add3A_298 = arith.addi %mul3A_290, %add3A_297 : i32
        %swap3A = arith.index_cast %shift_right_arithmetic3A_287 : i32 to index
        %swap3A_299 = arith.index_cast %add3A_298 : i32 to index
        %swap3A_300 = tpu.vector_load %arg8[%swap3A, %swap3A_299] {strides = array<i32>} : memref<16x1024xf32, #tpu.memory_space<vmem>>, vector<1x16xf32>,
        %swap3A_301 = vector.shape_cast %swap3A_300 : vector<1x16xf32> to vector<16xf32>
        %swap3A_302 = vector.shape_cast %add3A_296 : vector<16xf32> to vector<1x16xf32>
        tpu.vector_store %arg8[%swap3A, %swap3A_299], %swap3A_302 {strides = array<i32>} : memref<16x1024xf32, #tpu.memory_space<vmem>>, vector<1x16xf32>,
        %add3A_303 = arith.constant 16 : i32
        %add3A_304 = arith.addi %mul3A_290, %add3A_303 : i32
        %get3A_305 = arith.index_cast %shift_right_arithmetic3A_287 : i32 to index
        %get3A_306 = arith.index_cast %add3A_304 : i32 to index
        %get3A_307 = tpu.vector_load %arg8[%get3A_305, %get3A_306] {strides = array<i32>} : memref<16x1024xf32, #tpu.memory_space<vmem>>, vector<1x16xf32>,
        %get3A_308 = vector.shape_cast %get3A_307 : vector<1x16xf32> to vector<16xf32>
        %add3A_309 = arith.addf %get3A_308, %get3A_308 : vector<16xf32>
        %add3A_310 = arith.constant 16 : i32
        %add3A_311 = arith.addi %mul3A_290, %add3A_310 : i32
        %swap3A_312 = arith.index_cast %shift_right_arithmetic3A_287 : i32 to index
        %swap3A_313 = arith.index_cast %add3A_311 : i32 to index
        %swap3A_314 = tpu.vector_load %arg8[%swap3A_312, %swap3A_313] {strides = array<i32>} : memref<16x1024xf32, #tpu.memory_space<vmem>>, vector<1x16xf32>,
        %swap3A_315 = vector.shape_cast %swap3A_314 : vector<1x16xf32> to vector<16xf32>
        %swap3A_316 = vector.shape_cast %add3A_309 : vector<16xf32> to vector<1x16xf32>
        tpu.vector_store %arg8[%swap3A_312, %swap3A_313], %swap3A_316 {strides = array<i32>} : memref<16x1024xf32, #tpu.memory_space<vmem>>, vector<1x16xf32>,
        %add3A_317 = arith.constant 32 : i32
        %add3A_318 = arith.addi %mul3A_290, %add3A_317 : i32
        %get3A_319 = arith.index_cast %shift_right_arithmetic3A_287 : i32 to index
        %get3A_320 = arith.index_cast %add3A_318 : i32 to index
        %get3A_321 = tpu.vector_load %arg8[%get3A_319, %get3A_320] {strides = array<i32>} : memref<16x1024xf32, #tpu.memory_space<vmem>>, vector<1x16xf32>,
        %get3A_322 = vector.shape_cast %get3A_321 : vector<1x16xf32> to vector<16xf32>
        %add3A_323 = arith.addf %get3A_322, %get3A_322 : vector<16xf32>
        %add3A_324 = arith.constant 32 : i32
        %add3A_325 = arith.addi %mul3A_290, %add3A_324 : i32
        %swap3A_326 = arith.index_cast %shift_right_arithmetic3A_287 : i32 to index
        %swap3A_327 = arith.index_cast %add3A_325 : i32 to index
        %swap3A_328 = tpu.vector_load %arg8[%swap3A_326, %swap3A_327] {strides = array<i32>} : memref<16x1024xf32, #tpu.memory_space<vmem>>, vector<1x16xf32>,
        %swap3A_329 = vector.shape_cast %swap3A_328 : vector<1x16xf32> to vector<16xf32>
        %swap3A_330 = vector.shape_cast %add3A_323 : vector<16xf32> to vector<1x16xf32>
        tpu.vector_store %arg8[%swap3A_326, %swap3A_327], %swap3A_330 {strides = array<i32>} : memref<16x1024xf32, #tpu.memory_space<vmem>>, vector<1x16xf32>,
        %add3A_331 = arith.constant 48 : i32
        %add3A_332 = arith.addi %mul3A_290, %add3A_331 : i32
        %get3A_333 = arith.index_cast %shift_right_arithmetic3A_287 : i32 to index
        %get3A_334 = arith.index_cast %add3A_332 : i32 to index
        %get3A_335 = tpu.vector_load %arg8[%get3A_333, %get3A_334] {strides = array<i32>} : memref<16x1024xf32, #tpu.memory_space<vmem>>, vector<1x16xf32>,
        %get3A_336 = vector.shape_cast %get3A_335 : vector<1x16xf32> to vector<16xf32>
        %add3A_337 = arith.addf %get3A_336, %get3A_336 : vector<16xf32>
        %add3A_338 = arith.constant 48 : i32
        %add3A_339 = arith.addi %mul3A_290, %add3A_338 : i32
        %swap3A_340 = arith.index_cast %shift_right_arithmetic3A_287 : i32 to index
        %swap3A_341 = arith.index_cast %add3A_339 : i32 to index
        %swap3A_342 = tpu.vector_load %arg8[%swap3A_340, %swap3A_341] {strides = array<i32>} : memref<16x1024xf32, #tpu.memory_space<vmem>>, vector<1x16xf32>,
        %swap3A_343 = vector.shape_cast %swap3A_342 : vector<1x16xf32> to vector<16xf32>
        %swap3A_344 = vector.shape_cast %add3A_337 : vector<16xf32> to vector<1x16xf32>
        tpu.vector_store %arg8[%swap3A_340, %swap3A_341], %swap3A_344 {strides = array<i32>} : memref<16x1024xf32, #tpu.memory_space<vmem>>, vector<1x16xf32>,
        %add3A_345 = arith.constant 64 : i32
        %add3A_346 = arith.addi %mul3A_290, %add3A_345 : i32
        %get3A_347 = arith.index_cast %shift_right_arithmetic3A_287 : i32 to index
        %get3A_348 = arith.index_cast %add3A_346 : i32 to index
        %get3A_349 = tpu.vector_load %arg8[%get3A_347, %get3A_348] {strides = array<i32>} : memref<16x1024xf32, #tpu.memory_space<vmem>>, vector<1x16xf32>,
        %get3A_350 = vector.shape_cast %get3A_349 : vector<1x16xf32> to vector<16xf32>
        %add3A_351 = arith.addf %get3A_350, %get3A_350 : vector<16xf32>
        %add3A_352 = arith.constant 64 : i32
        %add3A_353 = arith.addi %mul3A_290, %add3A_352 : i32
        %swap3A_354 = arith.index_cast %shift_right_arithmetic3A_287 : i32 to index
        %swap3A_355 = arith.index_cast %add3A_353 : i32 to index
        %swap3A_356 = tpu.vector_load %arg8[%swap3A_354, %swap3A_355] {strides = array<i32>} : memref<16x1024xf32, #tpu.memory_space<vmem>>, vector<1x16xf32>,
        %swap3A_357 = vector.shape_cast %swap3A_356 : vector<1x16xf32> to vector<16xf32>
        %swap3A_358 = vector.shape_cast %add3A_351 : vector<16xf32> to vector<1x16xf32>
        tpu.vector_store %arg8[%swap3A_354, %swap3A_355], %swap3A_358 {strides = array<i32>} : memref<16x1024xf32, #tpu.memory_space<vmem>>, vector<1x16xf32>,
        %add3A_359 = arith.constant 80 : i32
        %add3A_360 = arith.addi %mul3A_290, %add3A_359 : i32
        %get3A_361 = arith.index_cast %shift_right_arithmetic3A_287 : i32 to index
        %get3A_362 = arith.index_cast %add3A_360 : i32 to index
        %get3A_363 = tpu.vector_load %arg8[%get3A_361, %get3A_362] {strides = array<i32>} : memref<16x1024xf32, #tpu.memory_space<vmem>>, vector<1x16xf32>,
        %get3A_364 = vector.shape_cast %get3A_363 : vector<1x16xf32> to vector<16xf32>
        %add3A_365 = arith.addf %get3A_364, %get3A_364 : vector<16xf32>
        %add3A_366 = arith.constant 80 : i32
        %add3A_367 = arith.addi %mul3A_290, %add3A_366 : i32
        %swap3A_368 = arith.index_cast %shift_right_arithmetic3A_287 : i32 to index
        %swap3A_369 = arith.index_cast %add3A_367 : i32 to index
        %swap3A_370 = tpu.vector_load %arg8[%swap3A_368, %swap3A_369] {strides = array<i32>} : memref<16x1024xf32, #tpu.memory_space<vmem>>, vector<1x16xf32>,
        %swap3A_371 = vector.shape_cast %swap3A_370 : vector<1x16xf32> to vector<16xf32>
        %swap3A_372 = vector.shape_cast %add3A_365 : vector<16xf32> to vector<1x16xf32>
        tpu.vector_store %arg8[%swap3A_368, %swap3A_369], %swap3A_372 {strides = array<i32>} : memref<16x1024xf32, #tpu.memory_space<vmem>>, vector<1x16xf32>,
        %add3A_373 = arith.constant 96 : i32
        %add3A_374 = arith.addi %mul3A_290, %add3A_373 : i32
        %get3A_375 = arith.index_cast %shift_right_arithmetic3A_287 : i32 to index
        %get3A_376 = arith.index_cast %add3A_374 : i32 to index
        %get3A_377 = tpu.vector_load %arg8[%get3A_375, %get3A_376] {strides = array<i32>} : memref<16x1024xf32, #tpu.memory_space<vmem>>, vector<1x16xf32>,
        %get3A_378 = vector.shape_cast %get3A_377 : vector<1x16xf32> to vector<16xf32>
        %add3A_379 = arith.addf %get3A_378, %get3A_378 : vector<16xf32>
        %add3A_380 = arith.constant 96 : i32
        %add3A_381 = arith.addi %mul3A_290, %add3A_380 : i32
        %swap3A_382 = arith.index_cast %shift_right_arithmetic3A_287 : i32 to index
        %swap3A_383 = arith.index_cast %add3A_381 : i32 to index
        %swap3A_384 = tpu.vector_load %arg8[%swap3A_382, %swap3A_383] {strides = array<i32>} : memref<16x1024xf32, #tpu.memory_space<vmem>>, vector<1x16xf32>,
        %swap3A_385 = vector.shape_cast %swap3A_384 : vector<1x16xf32> to vector<16xf32>
        %swap3A_386 = vector.shape_cast %add3A_379 : vector<16xf32> to vector<1x16xf32>
        tpu.vector_store %arg8[%swap3A_382, %swap3A_383], %swap3A_386 {strides = array<i32>} : memref<16x1024xf32, #tpu.memory_space<vmem>>, vector<1x16xf32>,
        %add3A_387 = arith.constant 112 : i32
        %add3A_388 = arith.addi %mul3A_290, %add3A_387 : i32
        %get3A_389 = arith.index_cast %shift_right_arithmetic3A_287 : i32 to index
        %get3A_390 = arith.index_cast %add3A_388 : i32 to index
        %get3A_391 = tpu.vector_load %arg8[%get3A_389, %get3A_390] {strides = array<i32>} : memref<16x1024xf32, #tpu.memory_space<vmem>>, vector<1x16xf32>,
        %get3A_392 = vector.shape_cast %get3A_391 : vector<1x16xf32> to vector<16xf32>
        %add3A_393 = arith.addf %get3A_392, %get3A_392 : vector<16xf32>
        %add3A_394 = arith.constant 112 : i32
        %add3A_395 = arith.addi %mul3A_290, %add3A_394 : i32
        %swap3A_396 = arith.index_cast %shift_right_arithmetic3A_287 : i32 to index
        %swap3A_397 = arith.index_cast %add3A_395 : i32 to index
        %swap3A_398 = tpu.vector_load %arg8[%swap3A_396, %swap3A_397] {strides = array<i32>} : memref<16x1024xf32, #tpu.memory_space<vmem>>, vector<1x16xf32>,
        %swap3A_399 = vector.shape_cast %swap3A_398 : vector<1x16xf32> to vector<16xf32>
        %swap3A_400 = vector.shape_cast %add3A_393 : vector<16xf32> to vector<1x16xf32>
        tpu.vector_store %arg8[%swap3A_396, %swap3A_397], %swap3A_400 {strides = array<i32>} : memref<16x1024xf32, #tpu.memory_space<vmem>>, vector<1x16xf32>,
      }
      %scan3A_211 = arith.constant 64 : i32
      %mul3A_212 = arith.constant 16 : i32
      %mul3A_213 = arith.muli %add3A_169, %mul3A_212 : i32
      %add3A_214 = arith.addi %mul3A_2, %mul3A_213 : i32
      %add3A_215 = arith.constant 8 : i32
      %add3A_216 = arith.addi %add3A_214, %add3A_215 : i32
      %dma_start3A_217 = arith.constant 8 : i32
      %dma_start3A_218 = arith.constant 0 : i32
      %dma_start3A_219 = tpu.memref_slice %arg8[%dma_start3A_217, %dma_start3A_218] : memref<16x1024xf32, #tpu.memory_space<vmem>> -> memref<8x1024xf32, #tpu.memory_space<vmem>>
      %dma_start3A_220 = arith.constant 0 : i32
      %dma_start3A_221 = tpu.memref_slice %arg4[%add3A_216, %dma_start3A_220] : memref<8192x1024xf32, #tpu.memory_space<hbm>> -> memref<8x1024xf32, #tpu.memory_space<hbm>>
      %dma_start3A_222 = arith.constant 0 : i32
      %dma_start3A_223 = tpu.memref_slice %arg4[%add3A_216, %dma_start3A_222] : memref<8192x1024xf32, #tpu.memory_space<hbm>> -> memref<8x1024xf32, #tpu.memory_space<hbm>>
      %dma_start3A_224 = arith.constant 8 : i32
      %dma_start3A_225 = arith.constant 0 : i32
      %dma_start3A_226 = tpu.memref_slice %arg8[%dma_start3A_224, %dma_start3A_225] : memref<16x1024xf32, #tpu.memory_space<vmem>> -> memref<8x1024xf32, #tpu.memory_space<vmem>>
      tpu.enqueue_dma source(%dma_start3A_226 : memref<8x1024xf32, #tpu.memory_space<vmem>>) target(%dma_start3A_223 : memref<8x1024xf32, #tpu.memory_space<hbm>>) target_semaphore(%arg16 : memref<!tpu.dma_semaphore, #tpu.memory_space<semaphore_mem>>)
      %add3A_227 = arith.constant 3 : i32
      %add3A_228 = arith.addi %mul3A_53, %add3A_227 : i32
      %add3A_229 = arith.constant 4 : i32
      %add3A_230 = arith.addi %add3A_228, %add3A_229 : i32
      %sub3A_231 = arith.constant 1 : i32
      %sub3A_232 = arith.subi %add3A_230, %sub3A_231 : i32
      %lt3A_233 = arith.constant 16 : i32
      %lt3A_234 = arith.cmpi slt, %sub3A_232, %lt3A_233 : i32
      %convert_element_type3A_235 = arith.extui %lt3A_234 : i1 to i32
      %cond3A_236 = arith.constant 0 : i32
      %cond3A_237 = arith.cmpi ne, %convert_element_type3A_235, %cond3A_236 : i32
      scf.if %cond3A_237 {
        %ge3A = arith.constant 1 : i32
        %ge3A_286 = arith.cmpi sge, %add3A_228, %ge3A : i32
        %convert_element_type3A_287 = arith.extui %ge3A_286 : i1 to i32
        %cond3A_288 = arith.constant 0 : i32
        %cond3A_289 = arith.cmpi ne, %convert_element_type3A_287, %cond3A_288 : i32
        scf.if %cond3A_289 {
          %dma_wait3A_300 = arith.constant 0 : i32
          %dma_wait3A_301 = tpu.memref_slice %arg4[%mul3A_2, %dma_wait3A_300] : memref<8192x1024xf32, #tpu.memory_space<hbm>> -> memref<16x1024xf32, #tpu.memory_space<hbm>>
          %dma_wait3A_302 = arith.constant 0 : i32
          %dma_wait3A_303 = tpu.memref_slice %arg4[%mul3A_2, %dma_wait3A_302] : memref<8192x1024xf32, #tpu.memory_space<hbm>> -> memref<16x1024xf32, #tpu.memory_space<hbm>>
          tpu.wait_dma2 semaphore(%arg16 : memref<!tpu.dma_semaphore, #tpu.memory_space<semaphore_mem>>) src(%arg8 : memref<16x1024xf32, #tpu.memory_space<vmem>>) dst(%dma_wait3A_303 : memref<16x1024xf32, #tpu.memory_space<hbm>>)
        } else {
        }
        %add3A_290 = arith.constant 4 : i32
        %add3A_291 = arith.addi %add3A_228, %add3A_290 : i32
        %sub3A_292 = arith.constant 1 : i32
        %sub3A_293 = arith.subi %add3A_291, %sub3A_292 : i32
        %mul3A_294 = arith.constant 16 : i32
        %mul3A_295 = arith.muli %sub3A_293, %mul3A_294 : i32
        %dma_start3A_296 = tpu.memref_slice %arg5[%mul3A_295] : memref<256xi32, #tpu.memory_space<vmem>> -> memref<16xi32, #tpu.memory_space<vmem>>
        %dma_start3A_297 = arith.constant 0 : i32
        %dma_start3A_298 = arith.constant 0 : i32
        %dma_start3A_299 = tpu.memref_slice %arg2[%dma_start3A_297, %dma_start3A_298] : memref<100000x1024xf32, #tpu.memory_space<hbm>> -> memref<100000x1024xf32, #tpu.memory_space<hbm>>
        tpu.enqueue_indirect_dma source(%dma_start3A_299 : memref<100000x1024xf32, #tpu.memory_space<hbm>>) target(%arg8 : memref<16x1024xf32, #tpu.memory_space<vmem>>) offsets(%dma_start3A_296 : memref<16xi32, #tpu.memory_space<vmem>>) semaphore(%arg12 : memref<!tpu.dma_semaphore, #tpu.memory_space<semaphore_mem>>)
      } else {
      }
      %mul3A_238 = arith.constant 16 : i32
      %mul3A_239 = arith.muli %add3A_228, %mul3A_238 : i32
      %dma_wait3A_240 = tpu.memref_slice %arg5[%mul3A_239] : memref<256xi32, #tpu.memory_space<vmem>> -> memref<16xi32, #tpu.memory_space<vmem>>
      %dma_wait3A_241 = arith.constant 0 : i32
      %dma_wait3A_242 = arith.constant 0 : i32
      %dma_wait3A_243 = tpu.memref_slice %arg2[%dma_wait3A_241, %dma_wait3A_242] : memref<100000x1024xf32, #tpu.memory_space<hbm>> -> memref<100000x1024xf32, #tpu.memory_space<hbm>>
      tpu.wait_indirect_dma semaphore(%arg13 : memref<!tpu.dma_semaphore, #tpu.memory_space<semaphore_mem>>) src(%dma_wait3A_243 : memref<100000x1024xf32, #tpu.memory_space<hbm>>) dst(%arg9 : memref<16x1024xf32, #tpu.memory_space<vmem>>)
      %scan3A_244 = arith.constant 0 : i32
      %scan3A_245 = arith.constant 0 : i32
      %scan3A_246 = arith.constant 64 : i32
      %scan3A_247 = arith.addi %scan3A_245, %scan3A_246 : i32
      %scan3A_248 = arith.constant 1 : i32
      scf.for %scan3A_286 = %scan3A_245 to %scan3A_247 step %scan3A_248  : i32 {
        %shift_right_arithmetic3A = arith.constant 3 : i32
        %shift_right_arithmetic3A_287 = arith.shrsi %scan3A_286, %shift_right_arithmetic3A : i32
        %and3A = arith.constant 7 : i32
        %and3A_288 = arith.andi %scan3A_286, %and3A : i32
        %mul3A_289 = arith.constant 128 : i32
        %mul3A_290 = arith.muli %and3A_288, %mul3A_289 : i32
        %add3A_291 = arith.constant 0 : i32
        %add3A_292 = arith.addi %mul3A_290, %add3A_291 : i32
        %get3A = arith.index_cast %shift_right_arithmetic3A_287 : i32 to index
        %get3A_293 = arith.index_cast %add3A_292 : i32 to index
        %get3A_294 = tpu.vector_load %arg9[%get3A, %get3A_293] {strides = array<i32>} : memref<16x1024xf32, #tpu.memory_space<vmem>>, vector<1x16xf32>,
        %get3A_295 = vector.shape_cast %get3A_294 : vector<1x16xf32> to vector<16xf32>
        %add3A_296 = arith.addf %get3A_295, %get3A_295 : vector<16xf32>
        %add3A_297 = arith.constant 0 : i32
        %add3A_298 = arith.addi %mul3A_290, %add3A_297 : i32
        %swap3A = arith.index_cast %shift_right_arithmetic3A_287 : i32 to index
        %swap3A_299 = arith.index_cast %add3A_298 : i32 to index
        %swap3A_300 = tpu.vector_load %arg9[%swap3A, %swap3A_299] {strides = array<i32>} : memref<16x1024xf32, #tpu.memory_space<vmem>>, vector<1x16xf32>,
        %swap3A_301 = vector.shape_cast %swap3A_300 : vector<1x16xf32> to vector<16xf32>
        %swap3A_302 = vector.shape_cast %add3A_296 : vector<16xf32> to vector<1x16xf32>
        tpu.vector_store %arg9[%swap3A, %swap3A_299], %swap3A_302 {strides = array<i32>} : memref<16x1024xf32, #tpu.memory_space<vmem>>, vector<1x16xf32>,
        %add3A_303 = arith.constant 16 : i32
        %add3A_304 = arith.addi %mul3A_290, %add3A_303 : i32
        %get3A_305 = arith.index_cast %shift_right_arithmetic3A_287 : i32 to index
        %get3A_306 = arith.index_cast %add3A_304 : i32 to index
        %get3A_307 = tpu.vector_load %arg9[%get3A_305, %get3A_306] {strides = array<i32>} : memref<16x1024xf32, #tpu.memory_space<vmem>>, vector<1x16xf32>,
        %get3A_308 = vector.shape_cast %get3A_307 : vector<1x16xf32> to vector<16xf32>
        %add3A_309 = arith.addf %get3A_308, %get3A_308 : vector<16xf32>
        %add3A_310 = arith.constant 16 : i32
        %add3A_311 = arith.addi %mul3A_290, %add3A_310 : i32
        %swap3A_312 = arith.index_cast %shift_right_arithmetic3A_287 : i32 to index
        %swap3A_313 = arith.index_cast %add3A_311 : i32 to index
        %swap3A_314 = tpu.vector_load %arg9[%swap3A_312, %swap3A_313] {strides = array<i32>} : memref<16x1024xf32, #tpu.memory_space<vmem>>, vector<1x16xf32>,
        %swap3A_315 = vector.shape_cast %swap3A_314 : vector<1x16xf32> to vector<16xf32>
        %swap3A_316 = vector.shape_cast %add3A_309 : vector<16xf32> to vector<1x16xf32>
        tpu.vector_store %arg9[%swap3A_312, %swap3A_313], %swap3A_316 {strides = array<i32>} : memref<16x1024xf32, #tpu.memory_space<vmem>>, vector<1x16xf32>,
        %add3A_317 = arith.constant 32 : i32
        %add3A_318 = arith.addi %mul3A_290, %add3A_317 : i32
        %get3A_319 = arith.index_cast %shift_right_arithmetic3A_287 : i32 to index
        %get3A_320 = arith.index_cast %add3A_318 : i32 to index
        %get3A_321 = tpu.vector_load %arg9[%get3A_319, %get3A_320] {strides = array<i32>} : memref<16x1024xf32, #tpu.memory_space<vmem>>, vector<1x16xf32>,
        %get3A_322 = vector.shape_cast %get3A_321 : vector<1x16xf32> to vector<16xf32>
        %add3A_323 = arith.addf %get3A_322, %get3A_322 : vector<16xf32>
        %add3A_324 = arith.constant 32 : i32
        %add3A_325 = arith.addi %mul3A_290, %add3A_324 : i32
        %swap3A_326 = arith.index_cast %shift_right_arithmetic3A_287 : i32 to index
        %swap3A_327 = arith.index_cast %add3A_325 : i32 to index
        %swap3A_328 = tpu.vector_load %arg9[%swap3A_326, %swap3A_327] {strides = array<i32>} : memref<16x1024xf32, #tpu.memory_space<vmem>>, vector<1x16xf32>,
        %swap3A_329 = vector.shape_cast %swap3A_328 : vector<1x16xf32> to vector<16xf32>
        %swap3A_330 = vector.shape_cast %add3A_323 : vector<16xf32> to vector<1x16xf32>
        tpu.vector_store %arg9[%swap3A_326, %swap3A_327], %swap3A_330 {strides = array<i32>} : memref<16x1024xf32, #tpu.memory_space<vmem>>, vector<1x16xf32>,
        %add3A_331 = arith.constant 48 : i32
        %add3A_332 = arith.addi %mul3A_290, %add3A_331 : i32
        %get3A_333 = arith.index_cast %shift_right_arithmetic3A_287 : i32 to index
        %get3A_334 = arith.index_cast %add3A_332 : i32 to index
        %get3A_335 = tpu.vector_load %arg9[%get3A_333, %get3A_334] {strides = array<i32>} : memref<16x1024xf32, #tpu.memory_space<vmem>>, vector<1x16xf32>,
        %get3A_336 = vector.shape_cast %get3A_335 : vector<1x16xf32> to vector<16xf32>
        %add3A_337 = arith.addf %get3A_336, %get3A_336 : vector<16xf32>
        %add3A_338 = arith.constant 48 : i32
        %add3A_339 = arith.addi %mul3A_290, %add3A_338 : i32
        %swap3A_340 = arith.index_cast %shift_right_arithmetic3A_287 : i32 to index
        %swap3A_341 = arith.index_cast %add3A_339 : i32 to index
        %swap3A_342 = tpu.vector_load %arg9[%swap3A_340, %swap3A_341] {strides = array<i32>} : memref<16x1024xf32, #tpu.memory_space<vmem>>, vector<1x16xf32>,
        %swap3A_343 = vector.shape_cast %swap3A_342 : vector<1x16xf32> to vector<16xf32>
        %swap3A_344 = vector.shape_cast %add3A_337 : vector<16xf32> to vector<1x16xf32>
        tpu.vector_store %arg9[%swap3A_340, %swap3A_341], %swap3A_344 {strides = array<i32>} : memref<16x1024xf32, #tpu.memory_space<vmem>>, vector<1x16xf32>,
        %add3A_345 = arith.constant 64 : i32
        %add3A_346 = arith.addi %mul3A_290, %add3A_345 : i32
        %get3A_347 = arith.index_cast %shift_right_arithmetic3A_287 : i32 to index
        %get3A_348 = arith.index_cast %add3A_346 : i32 to index
        %get3A_349 = tpu.vector_load %arg9[%get3A_347, %get3A_348] {strides = array<i32>} : memref<16x1024xf32, #tpu.memory_space<vmem>>, vector<1x16xf32>,
        %get3A_350 = vector.shape_cast %get3A_349 : vector<1x16xf32> to vector<16xf32>
        %add3A_351 = arith.addf %get3A_350, %get3A_350 : vector<16xf32>
        %add3A_352 = arith.constant 64 : i32
        %add3A_353 = arith.addi %mul3A_290, %add3A_352 : i32
        %swap3A_354 = arith.index_cast %shift_right_arithmetic3A_287 : i32 to index
        %swap3A_355 = arith.index_cast %add3A_353 : i32 to index
        %swap3A_356 = tpu.vector_load %arg9[%swap3A_354, %swap3A_355] {strides = array<i32>} : memref<16x1024xf32, #tpu.memory_space<vmem>>, vector<1x16xf32>,
        %swap3A_357 = vector.shape_cast %swap3A_356 : vector<1x16xf32> to vector<16xf32>
        %swap3A_358 = vector.shape_cast %add3A_351 : vector<16xf32> to vector<1x16xf32>
        tpu.vector_store %arg9[%swap3A_354, %swap3A_355], %swap3A_358 {strides = array<i32>} : memref<16x1024xf32, #tpu.memory_space<vmem>>, vector<1x16xf32>,
        %add3A_359 = arith.constant 80 : i32
        %add3A_360 = arith.addi %mul3A_290, %add3A_359 : i32
        %get3A_361 = arith.index_cast %shift_right_arithmetic3A_287 : i32 to index
        %get3A_362 = arith.index_cast %add3A_360 : i32 to index
        %get3A_363 = tpu.vector_load %arg9[%get3A_361, %get3A_362] {strides = array<i32>} : memref<16x1024xf32, #tpu.memory_space<vmem>>, vector<1x16xf32>,
        %get3A_364 = vector.shape_cast %get3A_363 : vector<1x16xf32> to vector<16xf32>
        %add3A_365 = arith.addf %get3A_364, %get3A_364 : vector<16xf32>
        %add3A_366 = arith.constant 80 : i32
        %add3A_367 = arith.addi %mul3A_290, %add3A_366 : i32
        %swap3A_368 = arith.index_cast %shift_right_arithmetic3A_287 : i32 to index
        %swap3A_369 = arith.index_cast %add3A_367 : i32 to index
        %swap3A_370 = tpu.vector_load %arg9[%swap3A_368, %swap3A_369] {strides = array<i32>} : memref<16x1024xf32, #tpu.memory_space<vmem>>, vector<1x16xf32>,
        %swap3A_371 = vector.shape_cast %swap3A_370 : vector<1x16xf32> to vector<16xf32>
        %swap3A_372 = vector.shape_cast %add3A_365 : vector<16xf32> to vector<1x16xf32>
        tpu.vector_store %arg9[%swap3A_368, %swap3A_369], %swap3A_372 {strides = array<i32>} : memref<16x1024xf32, #tpu.memory_space<vmem>>, vector<1x16xf32>,
        %add3A_373 = arith.constant 96 : i32
        %add3A_374 = arith.addi %mul3A_290, %add3A_373 : i32
        %get3A_375 = arith.index_cast %shift_right_arithmetic3A_287 : i32 to index
        %get3A_376 = arith.index_cast %add3A_374 : i32 to index
        %get3A_377 = tpu.vector_load %arg9[%get3A_375, %get3A_376] {strides = array<i32>} : memref<16x1024xf32, #tpu.memory_space<vmem>>, vector<1x16xf32>,
        %get3A_378 = vector.shape_cast %get3A_377 : vector<1x16xf32> to vector<16xf32>
        %add3A_379 = arith.addf %get3A_378, %get3A_378 : vector<16xf32>
        %add3A_380 = arith.constant 96 : i32
        %add3A_381 = arith.addi %mul3A_290, %add3A_380 : i32
        %swap3A_382 = arith.index_cast %shift_right_arithmetic3A_287 : i32 to index
        %swap3A_383 = arith.index_cast %add3A_381 : i32 to index
        %swap3A_384 = tpu.vector_load %arg9[%swap3A_382, %swap3A_383] {strides = array<i32>} : memref<16x1024xf32, #tpu.memory_space<vmem>>, vector<1x16xf32>,
        %swap3A_385 = vector.shape_cast %swap3A_384 : vector<1x16xf32> to vector<16xf32>
        %swap3A_386 = vector.shape_cast %add3A_379 : vector<16xf32> to vector<1x16xf32>
        tpu.vector_store %arg9[%swap3A_382, %swap3A_383], %swap3A_386 {strides = array<i32>} : memref<16x1024xf32, #tpu.memory_space<vmem>>, vector<1x16xf32>,
        %add3A_387 = arith.constant 112 : i32
        %add3A_388 = arith.addi %mul3A_290, %add3A_387 : i32
        %get3A_389 = arith.index_cast %shift_right_arithmetic3A_287 : i32 to index
        %get3A_390 = arith.index_cast %add3A_388 : i32 to index
        %get3A_391 = tpu.vector_load %arg9[%get3A_389, %get3A_390] {strides = array<i32>} : memref<16x1024xf32, #tpu.memory_space<vmem>>, vector<1x16xf32>,
        %get3A_392 = vector.shape_cast %get3A_391 : vector<1x16xf32> to vector<16xf32>
        %add3A_393 = arith.addf %get3A_392, %get3A_392 : vector<16xf32>
        %add3A_394 = arith.constant 112 : i32
        %add3A_395 = arith.addi %mul3A_290, %add3A_394 : i32
        %swap3A_396 = arith.index_cast %shift_right_arithmetic3A_287 : i32 to index
        %swap3A_397 = arith.index_cast %add3A_395 : i32 to index
        %swap3A_398 = tpu.vector_load %arg9[%swap3A_396, %swap3A_397] {strides = array<i32>} : memref<16x1024xf32, #tpu.memory_space<vmem>>, vector<1x16xf32>,
        %swap3A_399 = vector.shape_cast %swap3A_398 : vector<1x16xf32> to vector<16xf32>
        %swap3A_400 = vector.shape_cast %add3A_393 : vector<16xf32> to vector<1x16xf32>
        tpu.vector_store %arg9[%swap3A_396, %swap3A_397], %swap3A_400 {strides = array<i32>} : memref<16x1024xf32, #tpu.memory_space<vmem>>, vector<1x16xf32>,
      }
      %scan3A_249 = arith.constant 64 : i32
      %mul3A_250 = arith.constant 16 : i32
      %mul3A_251 = arith.muli %add3A_228, %mul3A_250 : i32
      %add3A_252 = arith.addi %mul3A_2, %mul3A_251 : i32
      %add3A_253 = arith.constant 0 : i32
      %add3A_254 = arith.addi %add3A_252, %add3A_253 : i32
      %dma_start3A_255 = arith.constant 0 : i32
      %dma_start3A_256 = arith.constant 0 : i32
      %dma_start3A_257 = tpu.memref_slice %arg9[%dma_start3A_255, %dma_start3A_256] : memref<16x1024xf32, #tpu.memory_space<vmem>> -> memref<8x1024xf32, #tpu.memory_space<vmem>>
      %dma_start3A_258 = arith.constant 0 : i32
      %dma_start3A_259 = tpu.memref_slice %arg4[%add3A_254, %dma_start3A_258] : memref<8192x1024xf32, #tpu.memory_space<hbm>> -> memref<8x1024xf32, #tpu.memory_space<hbm>>
      %dma_start3A_260 = arith.constant 0 : i32
      %dma_start3A_261 = tpu.memref_slice %arg4[%add3A_254, %dma_start3A_260] : memref<8192x1024xf32, #tpu.memory_space<hbm>> -> memref<8x1024xf32, #tpu.memory_space<hbm>>
      %dma_start3A_262 = arith.constant 0 : i32
      %dma_start3A_263 = arith.constant 0 : i32
      %dma_start3A_264 = tpu.memref_slice %arg9[%dma_start3A_262, %dma_start3A_263] : memref<16x1024xf32, #tpu.memory_space<vmem>> -> memref<8x1024xf32, #tpu.memory_space<vmem>>
      tpu.enqueue_dma source(%dma_start3A_264 : memref<8x1024xf32, #tpu.memory_space<vmem>>) target(%dma_start3A_261 : memref<8x1024xf32, #tpu.memory_space<hbm>>) target_semaphore(%arg17 : memref<!tpu.dma_semaphore, #tpu.memory_space<semaphore_mem>>)
      %scan3A_265 = arith.constant 0 : i32
      %scan3A_266 = arith.constant 64 : i32
      %scan3A_267 = arith.constant 64 : i32
      %scan3A_268 = arith.addi %scan3A_266, %scan3A_267 : i32
      %scan3A_269 = arith.constant 1 : i32
      scf.for %scan3A_286 = %scan3A_266 to %scan3A_268 step %scan3A_269  : i32 {
        %shift_right_arithmetic3A = arith.constant 3 : i32
        %shift_right_arithmetic3A_287 = arith.shrsi %scan3A_286, %shift_right_arithmetic3A : i32
        %and3A = arith.constant 7 : i32
        %and3A_288 = arith.andi %scan3A_286, %and3A : i32
        %mul3A_289 = arith.constant 128 : i32
        %mul3A_290 = arith.muli %and3A_288, %mul3A_289 : i32
        %add3A_291 = arith.constant 0 : i32
        %add3A_292 = arith.addi %mul3A_290, %add3A_291 : i32
        %get3A = arith.index_cast %shift_right_arithmetic3A_287 : i32 to index
        %get3A_293 = arith.index_cast %add3A_292 : i32 to index
        %get3A_294 = tpu.vector_load %arg9[%get3A, %get3A_293] {strides = array<i32>} : memref<16x1024xf32, #tpu.memory_space<vmem>>, vector<1x16xf32>,
        %get3A_295 = vector.shape_cast %get3A_294 : vector<1x16xf32> to vector<16xf32>
        %add3A_296 = arith.addf %get3A_295, %get3A_295 : vector<16xf32>
        %add3A_297 = arith.constant 0 : i32
        %add3A_298 = arith.addi %mul3A_290, %add3A_297 : i32
        %swap3A = arith.index_cast %shift_right_arithmetic3A_287 : i32 to index
        %swap3A_299 = arith.index_cast %add3A_298 : i32 to index
        %swap3A_300 = tpu.vector_load %arg9[%swap3A, %swap3A_299] {strides = array<i32>} : memref<16x1024xf32, #tpu.memory_space<vmem>>, vector<1x16xf32>,
        %swap3A_301 = vector.shape_cast %swap3A_300 : vector<1x16xf32> to vector<16xf32>
        %swap3A_302 = vector.shape_cast %add3A_296 : vector<16xf32> to vector<1x16xf32>
        tpu.vector_store %arg9[%swap3A, %swap3A_299], %swap3A_302 {strides = array<i32>} : memref<16x1024xf32, #tpu.memory_space<vmem>>, vector<1x16xf32>,
        %add3A_303 = arith.constant 16 : i32
        %add3A_304 = arith.addi %mul3A_290, %add3A_303 : i32
        %get3A_305 = arith.index_cast %shift_right_arithmetic3A_287 : i32 to index
        %get3A_306 = arith.index_cast %add3A_304 : i32 to index
        %get3A_307 = tpu.vector_load %arg9[%get3A_305, %get3A_306] {strides = array<i32>} : memref<16x1024xf32, #tpu.memory_space<vmem>>, vector<1x16xf32>,
        %get3A_308 = vector.shape_cast %get3A_307 : vector<1x16xf32> to vector<16xf32>
        %add3A_309 = arith.addf %get3A_308, %get3A_308 : vector<16xf32>
        %add3A_310 = arith.constant 16 : i32
        %add3A_311 = arith.addi %mul3A_290, %add3A_310 : i32
        %swap3A_312 = arith.index_cast %shift_right_arithmetic3A_287 : i32 to index
        %swap3A_313 = arith.index_cast %add3A_311 : i32 to index
        %swap3A_314 = tpu.vector_load %arg9[%swap3A_312, %swap3A_313] {strides = array<i32>} : memref<16x1024xf32, #tpu.memory_space<vmem>>, vector<1x16xf32>,
        %swap3A_315 = vector.shape_cast %swap3A_314 : vector<1x16xf32> to vector<16xf32>
        %swap3A_316 = vector.shape_cast %add3A_309 : vector<16xf32> to vector<1x16xf32>
        tpu.vector_store %arg9[%swap3A_312, %swap3A_313], %swap3A_316 {strides = array<i32>} : memref<16x1024xf32, #tpu.memory_space<vmem>>, vector<1x16xf32>,
        %add3A_317 = arith.constant 32 : i32
        %add3A_318 = arith.addi %mul3A_290, %add3A_317 : i32
        %get3A_319 = arith.index_cast %shift_right_arithmetic3A_287 : i32 to index
        %get3A_320 = arith.index_cast %add3A_318 : i32 to index
        %get3A_321 = tpu.vector_load %arg9[%get3A_319, %get3A_320] {strides = array<i32>} : memref<16x1024xf32, #tpu.memory_space<vmem>>, vector<1x16xf32>,
        %get3A_322 = vector.shape_cast %get3A_321 : vector<1x16xf32> to vector<16xf32>
        %add3A_323 = arith.addf %get3A_322, %get3A_322 : vector<16xf32>
        %add3A_324 = arith.constant 32 : i32
        %add3A_325 = arith.addi %mul3A_290, %add3A_324 : i32
        %swap3A_326 = arith.index_cast %shift_right_arithmetic3A_287 : i32 to index
        %swap3A_327 = arith.index_cast %add3A_325 : i32 to index
        %swap3A_328 = tpu.vector_load %arg9[%swap3A_326, %swap3A_327] {strides = array<i32>} : memref<16x1024xf32, #tpu.memory_space<vmem>>, vector<1x16xf32>,
        %swap3A_329 = vector.shape_cast %swap3A_328 : vector<1x16xf32> to vector<16xf32>
        %swap3A_330 = vector.shape_cast %add3A_323 : vector<16xf32> to vector<1x16xf32>
        tpu.vector_store %arg9[%swap3A_326, %swap3A_327], %swap3A_330 {strides = array<i32>} : memref<16x1024xf32, #tpu.memory_space<vmem>>, vector<1x16xf32>,
        %add3A_331 = arith.constant 48 : i32
        %add3A_332 = arith.addi %mul3A_290, %add3A_331 : i32
        %get3A_333 = arith.index_cast %shift_right_arithmetic3A_287 : i32 to index
        %get3A_334 = arith.index_cast %add3A_332 : i32 to index
        %get3A_335 = tpu.vector_load %arg9[%get3A_333, %get3A_334] {strides = array<i32>} : memref<16x1024xf32, #tpu.memory_space<vmem>>, vector<1x16xf32>,
        %get3A_336 = vector.shape_cast %get3A_335 : vector<1x16xf32> to vector<16xf32>
        %add3A_337 = arith.addf %get3A_336, %get3A_336 : vector<16xf32>
        %add3A_338 = arith.constant 48 : i32
        %add3A_339 = arith.addi %mul3A_290, %add3A_338 : i32
        %swap3A_340 = arith.index_cast %shift_right_arithmetic3A_287 : i32 to index
        %swap3A_341 = arith.index_cast %add3A_339 : i32 to index
        %swap3A_342 = tpu.vector_load %arg9[%swap3A_340, %swap3A_341] {strides = array<i32>} : memref<16x1024xf32, #tpu.memory_space<vmem>>, vector<1x16xf32>,
        %swap3A_343 = vector.shape_cast %swap3A_342 : vector<1x16xf32> to vector<16xf32>
        %swap3A_344 = vector.shape_cast %add3A_337 : vector<16xf32> to vector<1x16xf32>
        tpu.vector_store %arg9[%swap3A_340, %swap3A_341], %swap3A_344 {strides = array<i32>} : memref<16x1024xf32, #tpu.memory_space<vmem>>, vector<1x16xf32>,
        %add3A_345 = arith.constant 64 : i32
        %add3A_346 = arith.addi %mul3A_290, %add3A_345 : i32
        %get3A_347 = arith.index_cast %shift_right_arithmetic3A_287 : i32 to index
        %get3A_348 = arith.index_cast %add3A_346 : i32 to index
        %get3A_349 = tpu.vector_load %arg9[%get3A_347, %get3A_348] {strides = array<i32>} : memref<16x1024xf32, #tpu.memory_space<vmem>>, vector<1x16xf32>,
        %get3A_350 = vector.shape_cast %get3A_349 : vector<1x16xf32> to vector<16xf32>
        %add3A_351 = arith.addf %get3A_350, %get3A_350 : vector<16xf32>
        %add3A_352 = arith.constant 64 : i32
        %add3A_353 = arith.addi %mul3A_290, %add3A_352 : i32
        %swap3A_354 = arith.index_cast %shift_right_arithmetic3A_287 : i32 to index
        %swap3A_355 = arith.index_cast %add3A_353 : i32 to index
        %swap3A_356 = tpu.vector_load %arg9[%swap3A_354, %swap3A_355] {strides = array<i32>} : memref<16x1024xf32, #tpu.memory_space<vmem>>, vector<1x16xf32>,
        %swap3A_357 = vector.shape_cast %swap3A_356 : vector<1x16xf32> to vector<16xf32>
        %swap3A_358 = vector.shape_cast %add3A_351 : vector<16xf32> to vector<1x16xf32>
        tpu.vector_store %arg9[%swap3A_354, %swap3A_355], %swap3A_358 {strides = array<i32>} : memref<16x1024xf32, #tpu.memory_space<vmem>>, vector<1x16xf32>,
        %add3A_359 = arith.constant 80 : i32
        %add3A_360 = arith.addi %mul3A_290, %add3A_359 : i32
        %get3A_361 = arith.index_cast %shift_right_arithmetic3A_287 : i32 to index
        %get3A_362 = arith.index_cast %add3A_360 : i32 to index
        %get3A_363 = tpu.vector_load %arg9[%get3A_361, %get3A_362] {strides = array<i32>} : memref<16x1024xf32, #tpu.memory_space<vmem>>, vector<1x16xf32>,
        %get3A_364 = vector.shape_cast %get3A_363 : vector<1x16xf32> to vector<16xf32>
        %add3A_365 = arith.addf %get3A_364, %get3A_364 : vector<16xf32>
        %add3A_366 = arith.constant 80 : i32
        %add3A_367 = arith.addi %mul3A_290, %add3A_366 : i32
        %swap3A_368 = arith.index_cast %shift_right_arithmetic3A_287 : i32 to index
        %swap3A_369 = arith.index_cast %add3A_367 : i32 to index
        %swap3A_370 = tpu.vector_load %arg9[%swap3A_368, %swap3A_369] {strides = array<i32>} : memref<16x1024xf32, #tpu.memory_space<vmem>>, vector<1x16xf32>,
        %swap3A_371 = vector.shape_cast %swap3A_370 : vector<1x16xf32> to vector<16xf32>
        %swap3A_372 = vector.shape_cast %add3A_365 : vector<16xf32> to vector<1x16xf32>
        tpu.vector_store %arg9[%swap3A_368, %swap3A_369], %swap3A_372 {strides = array<i32>} : memref<16x1024xf32, #tpu.memory_space<vmem>>, vector<1x16xf32>,
        %add3A_373 = arith.constant 96 : i32
        %add3A_374 = arith.addi %mul3A_290, %add3A_373 : i32
        %get3A_375 = arith.index_cast %shift_right_arithmetic3A_287 : i32 to index
        %get3A_376 = arith.index_cast %add3A_374 : i32 to index
        %get3A_377 = tpu.vector_load %arg9[%get3A_375, %get3A_376] {strides = array<i32>} : memref<16x1024xf32, #tpu.memory_space<vmem>>, vector<1x16xf32>,
        %get3A_378 = vector.shape_cast %get3A_377 : vector<1x16xf32> to vector<16xf32>
        %add3A_379 = arith.addf %get3A_378, %get3A_378 : vector<16xf32>
        %add3A_380 = arith.constant 96 : i32
        %add3A_381 = arith.addi %mul3A_290, %add3A_380 : i32
        %swap3A_382 = arith.index_cast %shift_right_arithmetic3A_287 : i32 to index
        %swap3A_383 = arith.index_cast %add3A_381 : i32 to index
        %swap3A_384 = tpu.vector_load %arg9[%swap3A_382, %swap3A_383] {strides = array<i32>} : memref<16x1024xf32, #tpu.memory_space<vmem>>, vector<1x16xf32>,
        %swap3A_385 = vector.shape_cast %swap3A_384 : vector<1x16xf32> to vector<16xf32>
        %swap3A_386 = vector.shape_cast %add3A_379 : vector<16xf32> to vector<1x16xf32>
        tpu.vector_store %arg9[%swap3A_382, %swap3A_383], %swap3A_386 {strides = array<i32>} : memref<16x1024xf32, #tpu.memory_space<vmem>>, vector<1x16xf32>,
        %add3A_387 = arith.constant 112 : i32
        %add3A_388 = arith.addi %mul3A_290, %add3A_387 : i32
        %get3A_389 = arith.index_cast %shift_right_arithmetic3A_287 : i32 to index
        %get3A_390 = arith.index_cast %add3A_388 : i32 to index
        %get3A_391 = tpu.vector_load %arg9[%get3A_389, %get3A_390] {strides = array<i32>} : memref<16x1024xf32, #tpu.memory_space<vmem>>, vector<1x16xf32>,
        %get3A_392 = vector.shape_cast %get3A_391 : vector<1x16xf32> to vector<16xf32>
        %add3A_393 = arith.addf %get3A_392, %get3A_392 : vector<16xf32>
        %add3A_394 = arith.constant 112 : i32
        %add3A_395 = arith.addi %mul3A_290, %add3A_394 : i32
        %swap3A_396 = arith.index_cast %shift_right_arithmetic3A_287 : i32 to index
        %swap3A_397 = arith.index_cast %add3A_395 : i32 to index
        %swap3A_398 = tpu.vector_load %arg9[%swap3A_396, %swap3A_397] {strides = array<i32>} : memref<16x1024xf32, #tpu.memory_space<vmem>>, vector<1x16xf32>,
        %swap3A_399 = vector.shape_cast %swap3A_398 : vector<1x16xf32> to vector<16xf32>
        %swap3A_400 = vector.shape_cast %add3A_393 : vector<16xf32> to vector<1x16xf32>
        tpu.vector_store %arg9[%swap3A_396, %swap3A_397], %swap3A_400 {strides = array<i32>} : memref<16x1024xf32, #tpu.memory_space<vmem>>, vector<1x16xf32>,
      }
      %scan3A_270 = arith.constant 64 : i32
      %mul3A_271 = arith.constant 16 : i32
      %mul3A_272 = arith.muli %add3A_228, %mul3A_271 : i32
      %add3A_273 = arith.addi %mul3A_2, %mul3A_272 : i32
      %add3A_274 = arith.constant 8 : i32
      %add3A_275 = arith.addi %add3A_273, %add3A_274 : i32
      %dma_start3A_276 = arith.constant 8 : i32
      %dma_start3A_277 = arith.constant 0 : i32
      %dma_start3A_278 = tpu.memref_slice %arg9[%dma_start3A_276, %dma_start3A_277] : memref<16x1024xf32, #tpu.memory_space<vmem>> -> memref<8x1024xf32, #tpu.memory_space<vmem>>
      %dma_start3A_279 = arith.constant 0 : i32
      %dma_start3A_280 = tpu.memref_slice %arg4[%add3A_275, %dma_start3A_279] : memref<8192x1024xf32, #tpu.memory_space<hbm>> -> memref<8x1024xf32, #tpu.memory_space<hbm>>
      %dma_start3A_281 = arith.constant 0 : i32
      %dma_start3A_282 = tpu.memref_slice %arg4[%add3A_275, %dma_start3A_281] : memref<8192x1024xf32, #tpu.memory_space<hbm>> -> memref<8x1024xf32, #tpu.memory_space<hbm>>
      %dma_start3A_283 = arith.constant 8 : i32
      %dma_start3A_284 = arith.constant 0 : i32
      %dma_start3A_285 = tpu.memref_slice %arg9[%dma_start3A_283, %dma_start3A_284] : memref<16x1024xf32, #tpu.memory_space<vmem>> -> memref<8x1024xf32, #tpu.memory_space<vmem>>
      tpu.enqueue_dma source(%dma_start3A_285 : memref<8x1024xf32, #tpu.memory_space<vmem>>) target(%dma_start3A_282 : memref<8x1024xf32, #tpu.memory_space<hbm>>) target_semaphore(%arg17 : memref<!tpu.dma_semaphore, #tpu.memory_space<semaphore_mem>>)
    }
    %scan3A_34 = arith.constant 4 : i32
    %dma_wait3A_35 = arith.constant 0 : i32
    %dma_wait3A_36 = tpu.memref_slice %arg4[%mul3A_2, %dma_wait3A_35] : memref<8192x1024xf32, #tpu.memory_space<hbm>> -> memref<16x1024xf32, #tpu.memory_space<hbm>>
    %dma_wait3A_37 = arith.constant 0 : i32
    %dma_wait3A_38 = tpu.memref_slice %arg4[%mul3A_2, %dma_wait3A_37] : memref<8192x1024xf32, #tpu.memory_space<hbm>> -> memref<16x1024xf32, #tpu.memory_space<hbm>>
    tpu.wait_dma2 semaphore(%arg14 : memref<!tpu.dma_semaphore, #tpu.memory_space<semaphore_mem>>) src(%arg6 : memref<16x1024xf32, #tpu.memory_space<vmem>>) dst(%dma_wait3A_38 : memref<16x1024xf32, #tpu.memory_space<hbm>>)
    %dma_wait3A_39 = arith.constant 0 : i32
    %dma_wait3A_40 = tpu.memref_slice %arg4[%mul3A_2, %dma_wait3A_39] : memref<8192x1024xf32, #tpu.memory_space<hbm>> -> memref<16x1024xf32, #tpu.memory_space<hbm>>
    %dma_wait3A_41 = arith.constant 0 : i32
    %dma_wait3A_42 = tpu.memref_slice %arg4[%mul3A_2, %dma_wait3A_41] : memref<8192x1024xf32, #tpu.memory_space<hbm>> -> memref<16x1024xf32, #tpu.memory_space<hbm>>
    tpu.wait_dma2 semaphore(%arg15 : memref<!tpu.dma_semaphore, #tpu.memory_space<semaphore_mem>>) src(%arg7 : memref<16x1024xf32, #tpu.memory_space<vmem>>) dst(%dma_wait3A_42 : memref<16x1024xf32, #tpu.memory_space<hbm>>)
    %dma_wait3A_43 = arith.constant 0 : i32
    %dma_wait3A_44 = tpu.memref_slice %arg4[%mul3A_2, %dma_wait3A_43] : memref<8192x1024xf32, #tpu.memory_space<hbm>> -> memref<16x1024xf32, #tpu.memory_space<hbm>>
    %dma_wait3A_45 = arith.constant 0 : i32
    %dma_wait3A_46 = tpu.memref_slice %arg4[%mul3A_2, %dma_wait3A_45] : memref<8192x1024xf32, #tpu.memory_space<hbm>> -> memref<16x1024xf32, #tpu.memory_space<hbm>>
    tpu.wait_dma2 semaphore(%arg16 : memref<!tpu.dma_semaphore, #tpu.memory_space<semaphore_mem>>) src(%arg8 : memref<16x1024xf32, #tpu.memory_space<vmem>>) dst(%dma_wait3A_46 : memref<16x1024xf32, #tpu.memory_space<hbm>>)
    %dma_wait3A_47 = arith.constant 0 : i32
    %dma_wait3A_48 = tpu.memref_slice %arg4[%mul3A_2, %dma_wait3A_47] : memref<8192x1024xf32, #tpu.memory_space<hbm>> -> memref<16x1024xf32, #tpu.memory_space<hbm>>
    %dma_wait3A_49 = arith.constant 0 : i32
    %dma_wait3A_50 = tpu.memref_slice %arg4[%mul3A_2, %dma_wait3A_49] : memref<8192x1024xf32, #tpu.memory_space<hbm>> -> memref<16x1024xf32, #tpu.memory_space<hbm>>
    tpu.wait_dma2 semaphore(%arg17 : memref<!tpu.dma_semaphore, #tpu.memory_space<semaphore_mem>>) src(%arg9 : memref<16x1024xf32, #tpu.memory_space<vmem>>) dst(%dma_wait3A_50 : memref<16x1024xf32, #tpu.memory_space<hbm>>)
    return
  }
}

</mosaic_0001>

<sc_bundles>
// kernel: kernel.3.cloned.1.call-start
scs
__scs_entry_jumppad:
0x0: {  	(pc) =	sbr.rel $0x88, $3  }
0x1: {  	(tag) =	ssettag $0x0;
	lr =	simm.s32 $0x1  }
0x2: {  	[smem:$0x3F9F] =	sst lr;
	_ =	strace $0xD0000000  }
0x3: {  	_ = 	snop  }
0x4: {  	_ = 	snop  }
0x5: {  	_ = 	snop  }
0x6: {  	_ = 	snop  }
0x7: {  	_ = 	snop  }
__scs_overlays_trampoline_lowered:
0x8: {  	[smem:$0x3FAE] =	sst s0  }
0x9: {  	[smem:$0x3FAF] =	sst s1  }
0xa: {  	[smem:$0x3FB0] =	sst s2  }
0xb: {  	[smem:$0x3FB1] =	sst s3  }
0xc: {  	[smem:$0x3FB2] =	sst s4  }
0xd: {  	[smem:$0x3FB3] =	sst s5  }
0xe: {  	[smem:$0x3FB4] =	sst s6  }
0xf: {  	[smem:$0x3FB5] =	sst s7  }
0x10: {  	[smem:$0x3FB6] =	sst s8  }
0x11: {  	[smem:$0x3FB7] =	sst s9;
	s0 =	simm.s32 @!p0 $0x0  }
0x12: {  	s1 =	sld [smem:$0x3F9D];
	s0 =	simm.s32 @p0 $0x1  }
0x13: {  	[smem:$0x3FB8] =	sst s0;
	s0 =	simm.s32 @!p1 $0x0  }
0x14: {  	s2 =	sld [smem:$0x3F9C];
	s0 =	simm.s32 @p1 $0x1  }
0x15: {  	[smem:$0x3FB9] =	sst s0;
	s0 =	simm.s32 @!p2 $0x0  }
0x16: {  	s3 =	sld [smem:$0x3FDB];
	s0 =	simm.s32 @p2 $0x1  }
0x17: {  	s4 =	simm.s32 $0x1BF5;
	[smem:$0x3FBB] =	sst s0  }
0x18: {  	s0 =	sld [smem:$0x3F9E];
	_ =	swait.ge [sflag:s4], $0x0  }
0x19: {  	s7 =	sld [smem:$0x3F9F]  }
0x1a: {  	s8 =	sadd.s32 $0xFFFFE003, lr  }
0x1b: {  	s9 =	sadd.s32 $0xFFFFFEF7, lr;
	s5 =	simm.s32 $0xFFFFFFFF;
	p2 =	slt.u32 s8, $0xFFFFF086  }
0x1c: {  	p1 =	slt.u32 s9, $0xF7A;
	s5 =	simm.s32 @!p2 $0x0  }
0x1d: {  	s5 =	simm.s32 @p1 $0x1;
	p0 =	seq.s32 s7, s2  }
0x1e: {  	s7 =	smul.u32 @!p0 $0xF7A, s2;
	p2 =	seq.s32 @!p0 s5, $0x0  }
0x1f: {  	s9 =	smul.u32 $0xF7A, s1;
	s8 =	simm.s32 @!p0 $0x1BF5;
	p2 =	por !p2, p0  }
0x20: {  	[sflag:s8] =	ssyncset.s32 @!p0 $0xFFFFF086;
	s6 =	sadd.s32 @!p0 s3, s7;
	s7 =	simm.s32 @!p0 $0x108  }
0x21: {  	s3 =	sadd.s32 s3, s9;
	s6 =	sadd.s32 @!p0 $0x88, s6;
	s7 =	simm.s32 @p2 $0x1082  }
0x22: {  	[simem:s7], [sflag:s8] =	dma.local @!p0 [hbm:s6], $0xF7A  }
0x23: {  	s9 =	sor.u32 $0xD0000000, s2;
	s6 =	simm.s32 $0x108;
	_ =	swait.ge @!p0 [sflag:s8], $0x0  }
0x24: {  	s3 =	sadd.s32 $0x88, s3;
	s6 =	simm.s32 @!p1 $0x1082;
	[sflag:s4] =	ssyncset.s32 $0xFFFFF086  }
0x25: {  	[simem:s6], [sflag:s4] =	dma.local [hbm:s3], $0xF7A  }
0x26: {  	[smem:$0x3F9F] =	sst s1;
	(tag) =	ssettag s2;
	_ =	strace s9  }
0x27: {  	s1 =	sld [smem:$0x3FAF]  }
0x28: {  	s2 =	sld [smem:$0x3FB0]  }
0x29: {  	s4 =	sld [smem:$0x3FB2]  }
0x2a: {  	p0 =	seq.s32 s5, $0x0;
	s5 =	sld [smem:$0x3FB3]  }
0x2b: {  	s6 =	sld [smem:$0x3FB4]  }
0x2c: {  	s7 =	sld [smem:$0x3FB5]  }
0x2d: {  	s3 =	simm.s32 $0x108;
	s8 =	sld [smem:$0x3FB6]  }
0x2e: {  	s3 =	simm.s32 @!p0 $0x1082;
	s9 =	sld [smem:$0x3FB7]  }
0x2f: {  	lr =	sadd.s32 s0, s3;
	s0 =	sld [smem:$0x3FAE]  }
0x30: {  	s3 =	sld [smem:$0x3FB1]  }
0x31: {  	[smem:$0x3FBA] =	sst s10  }
0x32: {  	s10 =	sld [smem:$0x3FB8];
	_ =	sdelay $0x3  }
0x33: {  	p0 =	seq.s32 s10, $0x1;
	s10 =	sld [smem:$0x3FBA];
	_ =	sdelay $0x3  }
0x34: {  	[smem:$0x3FBA] =	sst s10  }
0x35: {  	s10 =	sld [smem:$0x3FB9];
	_ =	sdelay $0x3  }
0x36: {  	p1 =	seq.s32 s10, $0x1;
	s10 =	sld [smem:$0x3FBA];
	_ =	sdelay $0x3  }
0x37: {  	[smem:$0x3FBA] =	sst s10  }
0x38: {  	s10 =	sld [smem:$0x3FBB]  }
0x39: {  	_ = 	snop;
	(pc) =	sbr.ind lr, $3  }
0x3a: {  	_ = 	snop  }
0x3b: {  	_ = 	snop  }
0x3c: {  	p2 =	seq.s32 s10, $0x1;
	s10 =	sld [smem:$0x3FBA]  }
0x3d: {  	_ =	shalt  }
0x3e: {  	_ =	shalt  }
0x3f: {  	_ =	shalt  }
0x40: {  	_ =	shalt  }
0x41: {  	_ =	shalt  }
0x42: {  	_ =	shalt  }
0x43: {  	_ =	shalt  }
0x44: {  	_ =	shalt  }
0x45: {  	_ =	shalt  }
0x46: {  	_ =	shalt  }
0x47: {  	_ =	shalt  }
0x48: {  	_ =	shalt  }
0x49: {  	_ =	shalt  }
0x4a: {  	_ =	shalt  }
0x4b: {  	_ =	shalt  }
0x4c: {  	_ =	shalt  }
0x4d: {  	_ =	shalt  }
0x4e: {  	_ =	shalt  }
0x4f: {  	_ =	shalt  }
0x50: {  	_ =	shalt  }
0x51: {  	_ =	shalt  }
0x52: {  	_ =	shalt  }
0x53: {  	_ =	shalt  }
0x54: {  	_ =	shalt  }
0x55: {  	_ =	shalt  }
0x56: {  	_ =	shalt  }
0x57: {  	_ =	shalt  }
0x58: {  	_ =	shalt  }
0x59: {  	_ =	shalt  }
0x5a: {  	_ =	shalt  }
0x5b: {  	_ =	shalt  }
0x5c: {  	_ =	shalt  }
0x5d: {  	_ =	shalt  }
0x5e: {  	_ =	shalt  }
0x5f: {  	_ =	shalt  }
0x60: {  	_ =	shalt  }
0x61: {  	_ =	shalt  }
0x62: {  	_ =	shalt  }
0x63: {  	_ =	shalt  }
0x64: {  	_ =	shalt  }
0x65: {  	_ =	shalt  }
0x66: {  	_ =	shalt  }
0x67: {  	_ =	shalt  }
0x68: {  	_ =	shalt  }
0x69: {  	_ =	shalt  }
0x6a: {  	_ =	shalt  }
0x6b: {  	_ =	shalt  }
0x6c: {  	_ =	shalt  }
0x6d: {  	_ =	shalt  }
0x6e: {  	_ =	shalt  }
0x6f: {  	_ =	shalt  }
0x70: {  	_ =	shalt  }
0x71: {  	_ =	shalt  }
0x72: {  	_ =	shalt  }
0x73: {  	_ =	shalt  }
0x74: {  	_ =	shalt  }
0x75: {  	_ =	shalt  }
0x76: {  	_ =	shalt  }
0x77: {  	_ =	shalt  }
0x78: {  	_ =	shalt  }
0x79: {  	_ =	shalt  }
0x7a: {  	_ =	shalt  }
0x7b: {  	_ =	shalt  }
0x7c: {  	_ =	shalt  }
0x7d: {  	_ =	shalt  }
0x7e: {  	_ =	shalt  }
0x7f: {  	_ =	shalt  }
0x80: {  	_ =	shalt  }
0x81: {  	_ =	shalt  }
0x82: {  	_ =	shalt  }
0x83: {  	_ =	shalt  }
0x84: {  	_ =	shalt  }
0x85: {  	_ =	shalt  }
0x86: {  	_ =	shalt  }
0x87: {  	_ =	shalt  }
.Lfunc_end0:
.L_simem_size_0:
called_computation_lowered:
.L_overlay_start_0:
0x88: {  	s2 =	sld [smem:$0x3FD9]  }
0x89: {  	s3 =	sld [smem:$0x3FFE];
	_ =	sdelay $0x1  }
0x8a: {  	s1 =	srdreg.scid  }
0x8b: {  	s0 =	sand.u32 $0x1, s1  }
0x8c: {  	s18 =	sshll.u32 s0, $0xA;
	s2 =	sadd.s32 s3, s2  }
0x8d: {  	s2 =	sadd.s32 s2, s18  }
0x8e: {  	[smem:$0x3FC6] =	sst s2  }
0x8f: {  	_ = 	snop  }
0x90: {  	s2 =	sld [smem:$0x3FC9]  }
0x91: {  	s19 =	sld [smem:$0x3FC8]  }
0x92: {  	s4 =	sld [smem:$0x3FD0];
	(tm) =	ssettm $0x1  }
0x93: {  	s5 =	sld [smem:$0x3FFB];
	_ =	sdelay $0x3  }
0x94: {  	_ =	strace s5  }
0x95: {  	s5 =	sld [smem:$0x3FFC];
	_ =	sdelay $0x3  }
0x96: {  	_ =	strace s5  }
0x97: {  	s5 =	sld [smem:$0x3FFD];
	_ =	sdelay $0x3  }
0x98: {  	_ =	strace s5  }
0x99: {  	_ =	strace $0x8FFFFFFF  }
0x9a: {  	s20 =	sld [smem:$0x3FDB];
	_ =	sdelay $0x1  }
0x9b: {  	s6 =	simm.s32 $_scs_section_size  }
0x9c: {  	s7 =	simm.s32 $_size__tile_overlayer_lowered;
	s8 =	simm.s32 $_tile_overlayer_lowered  }
0x9d: {  	s23 =	simm.s32 $0x1BFF;
	s22 =	sshll.u32 s8, $0x1;
	s5 =	sadd.s32 s6, s20  }
0x9e: {  	s9 =	simm.s32 $0x0;
	s21 =	sshll.u32 s7, $0x1;
	s7 =	sadd.s32 s22, s5  }
0x9f: {  	[timem:s9], [sflag:s23] =	dma.local [hbm:s7], s21  }
0xa0: {  	_ =	swait.ge [sflag:s23], s21  }
0xa1: {  	s6 =	ssub.s32 $0x0, s21;
	[sflag:s23] =	ssyncset.done $0x0  }
0xa2: {  	[sflag:s23] =	ssyncadd.s32 s6;
	_ =	sdelay $0x1  }
0xa3: {  	s24 =	simm.s32 $0x1B8B  }
0xa4: {  	_ =	swait.ge [sflag:s24], $0x1  }
0xa5: {  	[sflag:s24] =	ssyncset.done $0x0  }
0xa6: {  	s25 =	simm.s32 $0x1B8E;
	[sflag:s24] =	ssyncadd.s32 $0xFFFFFFFF  }
0xa7: {  	s26 =	simm.s32 $execute0_lowered;
	[smem:$0x3FD2] =	sst s25  }
0xa8: {  	s6 =	sshll.u32 s26, $0x1;
	_ =	strace $0x80000046;
	[dreg:$0x1] =	wrdreg $0xFFFFFFFF  }
0xa9: {  	s28 =	simm.s32 $_size_execute0_lowered;
	s5 =	sadd.s32 s5, s6;
	[dreg:$0x0] =	wrdreg $0x0  }
0xaa: {  	s6 =	sshll.u32 s28, $0x1;
	[dreg:$0x2] =	wrdreg s5  }
0xab: {  	[dreg:$0x3] =	wrdreg s6  }
0xac: {  	[dreg:$0x4] =	wrdreg $0xC0  }
0xad: {  	_ =	task [dreg:s9], $0x5FFFF  }
0xae: {  	[dreg:$0x1] =	wrdreg $0xFFFFFFFF  }
0xaf: {  	[dreg:$0x0] =	wrdreg $0x60  }
0xb0: {  	[dreg:$0x2] =	wrdreg s19  }
0xb1: {  	[dreg:$0x3] =	wrdreg s2  }
0xb2: {  	[dreg:$0x4] =	wrdreg s4  }
0xb3: {  	[dreg:$0x5] =	wrdreg $0x9  }
0xb4: {  	_ =	task.clear_ibuf [dreg:s9], $0x6FFFF;
	_ =	strace $0x90000046  }
0xb5: {  	s29 =	simm.s32 $0x9;
	_ =	strace $0x80000048  }
0xb6: {  	_ =	swait.ge [sflag:s29], $0x1  }
0xb7: {  	[sflag:s29] =	ssyncadd.s32 $0xFFFFFFFF  }
0xb8: {  	_ =	strace $0x90000048  }
0xb9: {  	_ =	sfence  }
0xba: {  	s30 =	sld [smem:$0x0];
	_ =	sdelay $0x2  }
0xbb: {  	s31 =	sshll.u32 s1, $0xD;
	s1 =	sshrl.u32 s1, $0x2  }
0xbc: {  	s3 =	sand.u32 $0x4000, s31;
	s1 =	sadd.s32 s1, s30  }
0xbd: {  	s0 =	sor.u32 s3, s0;
	s1 =	sshll.u32 s1, $0x11  }
0xbe: {  	s0 =	sor.u32 s1, s0  }
0xbf: {  	s0 =	sadd.s32 $0x8F2B, s0  }
0xc0: {  	[sflag:s0] =	ssyncadd.remote.s32 $0x1  }
0xc1: {  	_ =	sfence.sel $0xFFFF  }
0xc2: {  	[dreg:$0x0] =	wrdreg $0xFFFFFFFF;
	(pc) =	sbr.abs _section_cstart, $3  }
0xc3: {  	[dreg:$0x1] =	wrdreg $0xFFFFFFFF  }
0xc4: {  	_ =	task.clear_ibuf [dreg:s9], $0x2FFFF;
	_ =	strace $0x9FFFFFFF  }
0xc5: {  	(tm) =	ssettm $0x7FFFFFFF  }
tec
execute0_lowered:
.L_overlay_start_1:
0x0: {  	(tag) =	ssettag $0x1  }
0x1: {  	s2 =	rddreg [dreg:$0x0]  }
0x2: {  	s0 =	rddreg [dreg:$0x1];
	s1 =	srdreg.scid  }
0x3: {  	s3 =	rddreg [dreg:$0x2];
	s4 =	stileid.u32;
	s18 =	simm.s32 $0x2100  }
0x4: {  	s24 =	simm.s32 $0x4100;
	s29 =	simm.s32 $0x6100;
	s19 =	simm.s32 $0xA100  }
0x5: {  	s25 =	simm.s32 $0xC100;
	s31 =	simm.s32 $0xE100;
	s17 =	simm.s32 $0x1  }
0x6: {  	s20 =	simm.s32 $0x2;
	s21 =	simm.s32 $0x3;
	s22 =	simm.s32 $0x4  }
0x7: {  	s9 =	simm.s32 $0x0;
	s1 =	sand.u32 $0x1, s1;
	s5 =	sshll.u32 s4, $0x9  }
0x8: {  	s4 =	simm.s32 $0x0;
	s8 =	sadd.s32 $0x300, s2;
	s6 =	sshll.u32 s1, $0x8  }
0x9: {  	s10 =	sadd.s32 $0x400, s3;
	s1 =	ssub.s32 $0x2, s1;
	s5 =	sor.u32 s6, s5  }
0xa: {  	[smem:$0x7FF] =	sst s4;
	s28 =	sshrl.u32 s1, $0x1;
	s7 =	sshrl.u32 s5, $0x3  }
0xb: {  	_ =	strace $0x80000047;
	s1 =	ssub.s32 s1, s28;
	s0 =	sadd.s32 s0, s7  }
0xc: {  	v2 =	vlaneseq.u32;
	s6 =	sadd.s32 $0x100, s2;
	s30 =	smax.u32 s1, $0x1;
	[dreg:$0x4] =	wrdreg s0  }
0xd: {  	vm0 =	vmmov $0xffff;
	v1 =	vshrl.u32 v2, $0x3;
	s11 =	sshll.u32 s5, $0x7;
	s0 =	sadd.s32 $0x2, s0;
	[dreg:$0x6] =	wrdreg s30  }
0xe: {  	v0 =	vand.u32 $0x7, v2;
	v2 =	vor.u32 $0x8, v2;
	v1 =	vmul.u32 $0x8, v1;
	s7 =	sadd.s32 $0x200, s2;
	s1 =	simm.s32 $0x8100;
	[dreg:$0x5] =	wrdreg s0  }
.LBB2_1:
0xf: {  	[dreg:$0x7] =	wrdreg s9  }
0x10: {  	s0 =	rddreg [dreg:$0x4];
	s5 =	simm.s32 $0xA  }
0x11: {  	[tilespmem:s4], [sflag:$0xA] =	stream.linear.gather [hbm4b:s0+s4], $0x10, $0x38;
	[tilespmem:$0x10100] =	vst v63  }
0x12: {  	_ =	swait.ge [sflag:s5], $0x10  }
0x13: {  	[sflag:s5] =	ssyncset.done $0x0  }
0x14: {  	[sflag:s5] =	ssyncadd.s32 $0xFFFFFFF0  }
0x15: {  	v3 =	vld [tilespmem:$0x0];
	_ =	sdelay $0x4  }
0x16: {  	v4 =	vshll.u32 v3, $0x3  }
0x17: {  	v3 =	vand.u32 $0x7, v3;
	v4 =	vand.u32 $0xFFFFFFC0, v4  }
0x18: {  	v3 =	vor.u32 v3, v4  }
0x19: {  	v4 =	vperm.xlane v3, v0;
	_ =	sdelay $0x1  }
0x1a: {  	v4 =	vadd.s32 v1, v4;
	_ =	sdelay $0x3  }
0x1b: {  	s9 =	simm.s32 $0x100  }
0x1c: {  	[tilespmem:s9], [sflag:$0x1] =	stream.indirect_vreg.gather [hbm4b:s2+s4], $0x80, v4, vm0, $0xb8;
	[tilespmem:$0x10100] =	vst v63  }
0x1d: {  	s12 =	simm.s32 $0x900;
	v3 =	vperm.xlane v3, v2  }
0x1e: {  	[tilespmem:s12], [sflag:$0x1] =	stream.indirect_vreg.gather [hbm4b:s6+s4], $0x80, v4, vm0, $0xb8;
	[tilespmem:$0x10100] =	vst v63  }
0x1f: {  	s13 =	simm.s32 $0x1100;
	v3 =	vadd.s32 v1, v3  }
0x20: {  	[tilespmem:s13], [sflag:$0x1] =	stream.indirect_vreg.gather [hbm4b:s7+s4], $0x80, v4, vm0, $0xb8;
	[tilespmem:$0x10100] =	vst v63  }
0x21: {  	s14 =	simm.s32 $0x1900  }
0x22: {  	[tilespmem:s14], [sflag:$0x1] =	stream.indirect_vreg.gather [hbm4b:s8+s4], $0x80, v4, vm0, $0xb8;
	[tilespmem:$0x10100] =	vst v63  }
0x23: {  	_ = 	snop  }
0x24: {  	[tilespmem:s18], [sflag:$0x1] =	stream.indirect_vreg.gather [hbm4b:s2+s4], $0x80, v3, vm0, $0xb8;
	[tilespmem:$0x10100] =	vst v63  }
0x25: {  	s15 =	simm.s32 $0x2900  }
0x26: {  	[tilespmem:s15], [sflag:$0x1] =	stream.indirect_vreg.gather [hbm4b:s6+s4], $0x80, v3, vm0, $0xb8;
	[tilespmem:$0x10100] =	vst v63  }
0x27: {  	s16 =	simm.s32 $0x3100  }
0x28: {  	[tilespmem:s16], [sflag:$0x1] =	stream.indirect_vreg.gather [hbm4b:s7+s4], $0x80, v3, vm0, $0xb8;
	[tilespmem:$0x10100] =	vst v63  }
0x29: {  	s23 =	simm.s32 $0x3900  }
0x2a: {  	[tilespmem:s23], [sflag:$0x1] =	stream.indirect_vreg.gather [hbm4b:s8+s4], $0x80, v3, vm0, $0xb8;
	[tilespmem:$0x10100] =	vst v63  }
0x2b: {  	s28 =	simm.s32 $0x9;
	s26 =	rddreg [dreg:$0x5];
	s5 =	simm.s32 $0x10  }
0x2c: {  	[tilespmem:s5], [sflag:$0x9] =	stream.linear.gather [hbm4b:s26+s4], $0xF0, $0x38;
	[tilespmem:$0x10100] =	vst v63  }
0x2d: {  	_ =	swait.ge [sflag:s28], $0xF0  }
0x2e: {  	[sflag:s28] =	ssyncset.done $0x0  }
0x2f: {  	[sflag:s28] =	ssyncadd.s32 $0xFFFFFF10  }
0x30: {  	v3 =	vld [tilespmem:$0x10];
	_ =	sdelay $0x4  }
0x31: {  	v62 =	vshll.u32 v3, $0x3  }
0x32: {  	v3 =	vand.u32 $0x7, v3;
	v4 =	vand.u32 $0xFFFFFFC0, v62  }
0x33: {  	v3 =	vor.u32 v3, v4  }
0x34: {  	v4 =	vperm.xlane v3, v0;
	_ =	sdelay $0x1  }
0x35: {  	v4 =	vadd.s32 v1, v4;
	_ =	sdelay $0x4  }
0x36: {  	[tilespmem:s24], [sflag:$0x2] =	stream.indirect_vreg.gather [hbm4b:s2+s4], $0x80, v4, vm0, $0xb8;
	[tilespmem:$0x10100] =	vst v63  }
0x37: {  	s30 =	simm.s32 $0x4900;
	v3 =	vperm.xlane v3, v2  }
0x38: {  	[tilespmem:s30], [sflag:$0x2] =	stream.indirect_vreg.gather [hbm4b:s6+s4], $0x80, v4, vm0, $0xb8;
	[tilespmem:$0x10100] =	vst v63  }
0x39: {  	s5 =	simm.s32 $0x5100;
	v3 =	vadd.s32 v1, v3  }
0x3a: {  	[tilespmem:s5], [sflag:$0x2] =	stream.indirect_vreg.gather [hbm4b:s7+s4], $0x80, v4, vm0, $0xb8;
	[tilespmem:$0x10100] =	vst v63  }
0x3b: {  	s9 =	simm.s32 $0x5900  }
0x3c: {  	[tilespmem:s9], [sflag:$0x2] =	stream.indirect_vreg.gather [hbm4b:s8+s4], $0x80, v4, vm0, $0xb8;
	[tilespmem:$0x10100] =	vst v63  }
0x3d: {  	_ = 	snop  }
0x3e: {  	[tilespmem:s29], [sflag:$0x2] =	stream.indirect_vreg.gather [hbm4b:s2+s4], $0x80, v3, vm0, $0xb8;
	[tilespmem:$0x10100] =	vst v63  }
0x3f: {  	s12 =	simm.s32 $0x6900  }
0x40: {  	[tilespmem:s12], [sflag:$0x2] =	stream.indirect_vreg.gather [hbm4b:s6+s4], $0x80, v3, vm0, $0xb8;
	[tilespmem:$0x10100] =	vst v63  }
0x41: {  	s13 =	simm.s32 $0x7100  }
0x42: {  	[tilespmem:s13], [sflag:$0x2] =	stream.indirect_vreg.gather [hbm4b:s7+s4], $0x80, v3, vm0, $0xb8;
	[tilespmem:$0x10100] =	vst v63  }
0x43: {  	s14 =	simm.s32 $0x7900  }
0x44: {  	[tilespmem:s14], [sflag:$0x2] =	stream.indirect_vreg.gather [hbm4b:s8+s4], $0x80, v3, vm0, $0xb8;
	[tilespmem:$0x10100] =	vst v63  }
0x45: {  	v3 =	vld [tilespmem:$0x20];
	_ =	sdelay $0x4  }
0x46: {  	v63 =	vshll.u32 v3, $0x3  }
0x47: {  	v3 =	vand.u32 $0x7, v3;
	v4 =	vand.u32 $0xFFFFFFC0, v63  }
0x48: {  	v3 =	vor.u32 v3, v4  }
0x49: {  	v4 =	vperm.xlane v3, v0;
	_ =	sdelay $0x1  }
0x4a: {  	v4 =	vadd.s32 v1, v4;
	_ =	sdelay $0x4  }
0x4b: {  	[tilespmem:s1], [sflag:$0x3] =	stream.indirect_vreg.gather [hbm4b:s2+s4], $0x80, v4, vm0, $0xb8;
	[tilespmem:$0x10100] =	vst v63  }
0x4c: {  	s15 =	simm.s32 $0x8900;
	v3 =	vperm.xlane v3, v2  }
0x4d: {  	[tilespmem:s15], [sflag:$0x3] =	stream.indirect_vreg.gather [hbm4b:s6+s4], $0x80, v4, vm0, $0xb8;
	[tilespmem:$0x10100] =	vst v63  }
0x4e: {  	s16 =	simm.s32 $0x9100;
	v3 =	vadd.s32 v1, v3  }
0x4f: {  	[tilespmem:s16], [sflag:$0x3] =	stream.indirect_vreg.gather [hbm4b:s7+s4], $0x80, v4, vm0, $0xb8;
	[tilespmem:$0x10100] =	vst v63  }
0x50: {  	s23 =	simm.s32 $0x9900  }
0x51: {  	[tilespmem:s23], [sflag:$0x3] =	stream.indirect_vreg.gather [hbm4b:s8+s4], $0x80, v4, vm0, $0xb8;
	[tilespmem:$0x10100] =	vst v63  }
0x52: {  	_ = 	snop  }
0x53: {  	[tilespmem:s19], [sflag:$0x3] =	stream.indirect_vreg.gather [hbm4b:s2+s4], $0x80, v3, vm0, $0xb8;
	[tilespmem:$0x10100] =	vst v63  }
0x54: {  	s26 =	simm.s32 $0xA900  }
0x55: {  	[tilespmem:s26], [sflag:$0x3] =	stream.indirect_vreg.gather [hbm4b:s6+s4], $0x80, v3, vm0, $0xb8;
	[tilespmem:$0x10100] =	vst v63  }
0x56: {  	s28 =	simm.s32 $0xB100  }
0x57: {  	[tilespmem:s28], [sflag:$0x3] =	stream.indirect_vreg.gather [hbm4b:s7+s4], $0x80, v3, vm0, $0xb8;
	[tilespmem:$0x10100] =	vst v63  }
0x58: {  	s30 =	simm.s32 $0xB900;
	s9 =	simm.s32 $0x0  }
0x59: {  	[tilespmem:s30], [sflag:$0x3] =	stream.indirect_vreg.gather [hbm4b:s8+s4], $0x80, v3, vm0, $0xb8;
	[tilespmem:$0x10100] =	vst v63  }
.LBB2_2:
0x5a: {  	p0 =	seq.s32 s9, $0x0  }
0x5b: {  	s0 =	simm.s32 @!p0 $0x8  }
0x5c: {  	s12 =	sshllo.u32 s9, $0x2;
	_ =	swait.ge @!p0 [sflag:s0], $0x4000  }
0x5d: {  	s5 =	sshll.u32 s12, $0x4;
	[sflag:s0] =	ssyncset.done @!p0 $0x0  }
0x5e: {  	s28 =	sand.u32 $0x3FFFFFF0, s5;
	[sflag:s0] =	ssyncadd.s32 @!p0 $0xFFFFC000  }
0x5f: {  	v3 =	vld [tilespmem:s28+$0x0];
	_ =	sdelay $0x4  }
0x60: {  	v4 =	vshll.u32 v3, $0x3  }
0x61: {  	v3 =	vand.u32 $0x7, v3;
	v4 =	vand.u32 $0xFFFFFFC0, v4  }
0x62: {  	v3 =	vor.u32 v3, v4  }
0x63: {  	v4 =	vperm.xlane v3, v0;
	_ =	sdelay $0x1  }
0x64: {  	v4 =	vadd.s32 v1, v4;
	_ =	sdelay $0x3  }
0x65: {  	s30 =	simm.s32 $0x0  }
0x66: {  	[tilespmem:s25], [sflag:$0x4] =	stream.indirect_vreg.gather [hbm4b:s2+s30], $0x80, v4, vm0, $0xb8;
	[tilespmem:$0x10100] =	vst v63  }
0x67: {  	s13 =	simm.s32 $0xC900;
	v3 =	vperm.xlane v3, v2  }
0x68: {  	[tilespmem:s13], [sflag:$0x4] =	stream.indirect_vreg.gather [hbm4b:s6+s30], $0x80, v4, vm0, $0xb8;
	[tilespmem:$0x10100] =	vst v63  }
0x69: {  	s14 =	simm.s32 $0xD100;
	v3 =	vadd.s32 v1, v3  }
0x6a: {  	[tilespmem:s14], [sflag:$0x4] =	stream.indirect_vreg.gather [hbm4b:s7+s30], $0x80, v4, vm0, $0xb8;
	[tilespmem:$0x10100] =	vst v63  }
0x6b: {  	s15 =	simm.s32 $0xD900  }
0x6c: {  	[tilespmem:s15], [sflag:$0x4] =	stream.indirect_vreg.gather [hbm4b:s8+s30], $0x80, v4, vm0, $0xb8;
	[tilespmem:$0x10100] =	vst v63  }
0x6d: {  	_ = 	snop  }
0x6e: {  	[tilespmem:s31], [sflag:$0x4] =	stream.indirect_vreg.gather [hbm4b:s2+s30], $0x80, v3, vm0, $0xb8;
	[tilespmem:$0x10100] =	vst v63  }
0x6f: {  	s16 =	simm.s32 $0xE900  }
0x70: {  	[tilespmem:s16], [sflag:$0x4] =	stream.indirect_vreg.gather [hbm4b:s6+s30], $0x80, v3, vm0, $0xb8;
	[tilespmem:$0x10100] =	vst v63  }
0x71: {  	s23 =	simm.s32 $0xF100  }
0x72: {  	[tilespmem:s23], [sflag:$0x4] =	stream.indirect_vreg.gather [hbm4b:s7+s30], $0x80, v3, vm0, $0xb8;
	[tilespmem:$0x10100] =	vst v63  }
0x73: {  	s26 =	simm.s32 $0xF900  }
0x74: {  	[tilespmem:s26], [sflag:$0x4] =	stream.indirect_vreg.gather [hbm4b:s8+s30], $0x80, v3, vm0, $0xb8;
	[tilespmem:$0x10100] =	vst v63  }
0x75: {  	s28 =	sand.u32 $0x7000, s30;
	_ =	swait.ge [sflag:s17], $0x4000  }
0x76: {  	s0 =	sand.u32 $0x380, s30;
	s5 =	sshrl.u32 s28, $0x2;
	[sflag:s17] =	ssyncset.done $0x0  }
0x77: {  	s5 =	sor.u32 s0, s5;
	[sflag:s17] =	ssyncadd.s32 $0xFFFFC000  }
0x78: {  	v3 =	vld [tilespmem:s5+$0x100]  }
0x79: {  	v4 =	vld [tilespmem:s5+$0x110]  }
0x7a: {  	v5 =	vld [tilespmem:s5+$0x120]  }
0x7b: {  	v8 =	vld [tilespmem:s5+$0x130]  }
0x7c: {  	s30 =	simm.s32 $0x1000;
	v9 =	vld [tilespmem:s5+$0x140]  }
0x7d: {  	s13 =	simm.s32 $0x10;
	s0 =	sand.u32 $0x7000, s30;
	v10 =	vld [tilespmem:s5+$0x150];
	v3 =	vadd.f32 v3, v3  }
0x7e: {  	s13 =	sand.u32 $0x380, s13;
	s0 =	sshrl.u32 s0, $0x2;
	v11 =	vld [tilespmem:s5+$0x160];
	v4 =	vadd.f32 v4, v4  }
0x7f: {  	s13 =	sor.u32 s13, s0;
	v12 =	vld [tilespmem:s5+$0x170];
	[tilespmem:s5+$0x100] =	vst v3;
	v3 =	vadd.f32 v5, v5  }
0x80: {  	v5 =	vadd.f32 v8, v8;
	v6 =	vld [tilespmem:s13+$0x100];
	[tilespmem:s5+$0x110] =	vst v4  }
0x81: {  	v8 =	vadd.f32 v9, v9;
	v7 =	vld [tilespmem:s13+$0x110];
	[tilespmem:s5+$0x120] =	vst v3  }
0x82: {  	v9 =	vadd.f32 v10, v10;
	v4 =	vld [tilespmem:s13+$0x120];
	[tilespmem:s5+$0x130] =	vst v5  }
0x83: {  	v3 =	vld [tilespmem:s13+$0x130];
	[tilespmem:s5+$0x140] =	vst v8;
	v8 =	vadd.f32 v11, v11  }
0x84: {  	s23 =	simm.s32 $0x20;
	s0 =	simm.s32 $0x2000;
	v5 =	vld [tilespmem:s13+$0x140];
	[tilespmem:s5+$0x150] =	vst v9;
	v9 =	vadd.f32 v12, v12  }
.LBB2_3:
0x85: {  	s26 =	sand.u32 $0x7000, s0;
	p0 =	sne.s32 s23, $0x3F0;
	v6 =	vadd.f32 v6, v6;
	v10 =	vld [tilespmem:s13+$0x150];
	[tilespmem:s5+$0x160] =	vst v8  }
0x86: {  	s28 =	sand.u32 $0x380, s23;
	s26 =	sshrl.u32 s26, $0x2;
	v7 =	vadd.f32 v7, v7;
	v8 =	vld [tilespmem:s13+$0x160];
	[tilespmem:s5+$0x170] =	vst v9;
	s5 =	smov.u32 s13  }
0x87: {  	s13 =	sor.u32 s28, s26;
	[tilespmem:s5+$0x100] =	vst v6;
	v4 =	vadd.f32 v4, v4;
	v9 =	vld [tilespmem:s5+$0x170]  }
.Ltmp0:
0x88: {  	v6 =	vld [tilespmem:s13+$0x100];
	[tilespmem:s5+$0x110] =	vst v7;
	v3 =	vadd.f32 v3, v3;
	(pc) =	sbr.rel @p0 .LBB2_3-.Ltmp0, $4  }
0x89: {  	v7 =	vld [tilespmem:s13+$0x110];
	[tilespmem:s5+$0x120] =	vst v4;
	v5 =	vadd.f32 v5, v5  }
0x8a: {  	v4 =	vld [tilespmem:s13+$0x120];
	[tilespmem:s5+$0x130] =	vst v3;
	v10 =	vadd.f32 v10, v10  }
0x8b: {  	v3 =	vld [tilespmem:s13+$0x130];
	[tilespmem:s5+$0x140] =	vst v5;
	v8 =	vadd.f32 v8, v8  }
0x8c: {  	s0 =	sadd.s32 $0x1000, s0;
	s23 =	sadd.s32 $0x10, s23;
	v5 =	vld [tilespmem:s13+$0x140];
	[tilespmem:s5+$0x150] =	vst v10;
	v9 =	vadd.f32 v9, v9  }
0x8d: {  	v10 =	vld [tilespmem:s13+$0x150];
	[tilespmem:s5+$0x160] =	vst v8;
	v6 =	vadd.f32 v6, v6  }
0x8e: {  	v8 =	vld [tilespmem:s13+$0x160];
	v7 =	vadd.f32 v7, v7;
	[tilespmem:s5+$0x170] =	vst v9  }
0x8f: {  	[tilespmem:s13+$0x100] =	vst v6;
	v4 =	vadd.f32 v4, v4;
	v6 =	vld [tilespmem:s13+$0x170]  }
0x90: {  	[tilespmem:s13+$0x110] =	vst v7;
	v3 =	vadd.f32 v3, v3  }
0x91: {  	[tilespmem:s13+$0x120] =	vst v4;
	v4 =	vadd.f32 v5, v5  }
0x92: {  	[tilespmem:s13+$0x130] =	vst v3;
	v3 =	vadd.f32 v10, v10  }
0x93: {  	[tilespmem:s13+$0x140] =	vst v4;
	v4 =	vadd.f32 v8, v8  }
0x94: {  	s0 =	sshll.u32 s9, $0xD;
	[tilespmem:s13+$0x150] =	vst v3;
	v3 =	vadd.f32 v6, v6  }
0x95: {  	s5 =	sor.u32 s11, s0;
	[tilespmem:s13+$0x160] =	vst v4  }
0x96: {  	s15 =	simm.s32 $0x100;
	s16 =	simm.s32 $0x40000;
	s0 =	sadd.s32 s3, s5;
	[tilespmem:s13+$0x170] =	vst v3  }
0x97: {  	[hbm4b:s0+s4] =	stream.linear.scatter [tilespmem:s15], [sflag:$0x5], $0x2000, $0x38;
	[tilespmem:$0x10100] =	vst v63  }
0x98: {  	s23 =	simm.s32 $0x2000;
	s0 =	sand.u32 $0x7000, s16  }
0x99: {  	s13 =	sand.u32 $0x2000, s23;
	s23 =	simm.s32 $0x400;
	s0 =	sshrl.u32 s0, $0x2  }
0x9a: {  	s23 =	sand.u32 $0x380, s23;
	s0 =	sor.u32 s0, s13  }
0x9b: {  	s13 =	sor.u32 s0, s23  }
0x9c: {  	v3 =	vld [tilespmem:s13+$0x100];
	_ =	sdelay $0x1  }
0x9d: {  	v4 =	vld [tilespmem:s13+$0x110]  }
0x9e: {  	s26 =	simm.s32 $0x41000;
	v6 =	vld [tilespmem:s13+$0x120]  }
0x9f: {  	s30 =	simm.s32 $0x2080;
	s0 =	sand.u32 $0x7000, s26;
	v7 =	vld [tilespmem:s13+$0x130]  }
0xa0: {  	s23 =	sand.u32 $0x2000, s30;
	s26 =	simm.s32 $0x410;
	s0 =	sshrl.u32 s0, $0x2;
	v8 =	vld [tilespmem:s13+$0x140];
	v3 =	vadd.f32 v3, v3  }
0xa1: {  	s26 =	sand.u32 $0x380, s26;
	v9 =	vld [tilespmem:s13+$0x150];
	s0 =	sor.u32 s0, s23  }
0xa2: {  	v10 =	vld [tilespmem:s13+$0x160];
	s23 =	sor.u32 s0, s26;
	v4 =	vadd.f32 v4, v4;
	[tilespmem:s13+$0x100] =	vst v3  }
0xa3: {  	v5 =	vld [tilespmem:s23+$0x100]  }
0xa4: {  	v3 =	vadd.f32 v6, v6;
	[tilespmem:s13+$0x110] =	vst v4;
	v4 =	vadd.f32 v7, v7;
	v7 =	vld [tilespmem:s13+$0x170];
	_ =	sdelay $0x1  }
0xa5: {  	v8 =	vadd.f32 v8, v8;
	v6 =	vld [tilespmem:s23+$0x110];
	[tilespmem:s13+$0x120] =	vst v3  }
0xa6: {  	v9 =	vadd.f32 v9, v9;
	v3 =	vld [tilespmem:s23+$0x120];
	[tilespmem:s13+$0x130] =	vst v4  }
0xa7: {  	s28 =	simm.s32 $0x42;
	s26 =	simm.s32 $0x42000;
	v4 =	vld [tilespmem:s23+$0x130];
	[tilespmem:s13+$0x140] =	vst v8;
	v8 =	vadd.f32 v10, v10  }
.LBB2_5:
0xa8: {  	s0 =	sand.u32 $0x7000, s26;
	s30 =	sshll.u32 s28, $0x7;
	p0 =	sne.s32 s28, $0x7F;
	v10 =	vld [tilespmem:s23+$0x140];
	[tilespmem:s13+$0x150] =	vst v9;
	v7 =	vadd.f32 v7, v7  }
0xa9: {  	s15 =	sshll.u32 s28, $0x4;
	s30 =	sand.u32 $0x2000, s30;
	s0 =	sshrl.u32 s0, $0x2;
	v5 =	vadd.f32 v5, v5;
	v9 =	vld [tilespmem:s23+$0x150];
	[tilespmem:s13+$0x160] =	vst v8  }
0xaa: {  	s15 =	sand.u32 $0x380, s15;
	s0 =	sor.u32 s0, s30;
	v6 =	vadd.f32 v6, v6;
	v8 =	vld [tilespmem:s23+$0x160];
	[tilespmem:s13+$0x170] =	vst v7;
	s13 =	smov.u32 s23  }
.Ltmp1:
0xab: {  	s23 =	sor.u32 s0, s15;
	[tilespmem:s13+$0x100] =	vst v5;
	v3 =	vadd.f32 v3, v3;
	v7 =	vld [tilespmem:s13+$0x170];
	(pc) =	sbr.rel @p0 .LBB2_5-.Ltmp1, $4  }
0xac: {  	v5 =	vld [tilespmem:s23+$0x100];
	[tilespmem:s13+$0x110] =	vst v6;
	v4 =	vadd.f32 v4, v4  }
0xad: {  	v6 =	vld [tilespmem:s23+$0x110];
	[tilespmem:s13+$0x120] =	vst v3;
	v10 =	vadd.f32 v10, v10  }
0xae: {  	v3 =	vld [tilespmem:s23+$0x120];
	[tilespmem:s13+$0x130] =	vst v4;
	v9 =	vadd.f32 v9, v9  }
0xaf: {  	s26 =	sadd.s32 $0x1000, s26;
	s28 =	sadd.s32 $0x1, s28;
	v4 =	vld [tilespmem:s23+$0x130];
	[tilespmem:s13+$0x140] =	vst v10;
	v8 =	vadd.f32 v8, v8  }
0xb0: {  	v10 =	vld [tilespmem:s23+$0x140];
	[tilespmem:s13+$0x150] =	vst v9;
	v7 =	vadd.f32 v7, v7  }
0xb1: {  	v9 =	vld [tilespmem:s23+$0x150];
	[tilespmem:s13+$0x160] =	vst v8;
	v5 =	vadd.f32 v5, v5  }
0xb2: {  	v8 =	vld [tilespmem:s23+$0x160];
	v6 =	vadd.f32 v6, v6;
	[tilespmem:s13+$0x170] =	vst v7  }
0xb3: {  	[tilespmem:s23+$0x100] =	vst v5;
	v3 =	vadd.f32 v3, v3;
	v5 =	vld [tilespmem:s23+$0x170]  }
0xb4: {  	[tilespmem:s23+$0x110] =	vst v6;
	v4 =	vadd.f32 v4, v4  }
0xb5: {  	[tilespmem:s23+$0x120] =	vst v3;
	v3 =	vadd.f32 v10, v10  }
0xb6: {  	[tilespmem:s23+$0x130] =	vst v4;
	v4 =	vadd.f32 v9, v9  }
0xb7: {  	[tilespmem:s23+$0x140] =	vst v3;
	v3 =	vadd.f32 v8, v8  }
0xb8: {  	[tilespmem:s23+$0x150] =	vst v4;
	v4 =	vadd.f32 v5, v5  }
0xb9: {  	[tilespmem:s23+$0x160] =	vst v3  }
0xba: {  	s0 =	sadd.s32 s5, s10;
	p0 =	seq.s32 s9, $0x3;
	[tilespmem:s23+$0x170] =	vst v4  }
0xbb: {  	[hbm4b:s0+s4] =	stream.linear.scatter [tilespmem:s18], [sflag:$0x5], $0x2000, $0x38;
	[tilespmem:$0x10100] =	vst v63  }
0xbc: {  	s0 =	simm.s32 @!p0 $0x5  }
0xbd: {  	_ =	swait.ge @!p0 [sflag:s0], $0x4000  }
0xbe: {  	s13 =	sshll.u32 @!p0 s9, $0x6;
	[sflag:s0] =	ssyncset.done @!p0 $0x0  }
0xbf: {  	s13 =	sand.u32 @!p0 $0x3FFFFFC0, s13;
	[sflag:s0] =	ssyncadd.s32 @!p0 $0xFFFFC000  }
0xc0: {  	v3 =	vld @!p0 [tilespmem:s13+$0x40];
	_ =	sdelay $0x4  }
0xc1: {  	v4 =	vshll.u32 @!p0 v3, $0x3  }
0xc2: {  	v5 =	vlaneseq.u32 @!p0;
	v3 =	vand.u32 @!p0 $0x7, v3;
	v4 =	vand.u32 @!p0 $0xFFFFFFC0, v4  }
0xc3: {  	v6 =	vshrl.u32 @!p0 v5, $0x3;
	v3 =	vor.u32 @!p0 v3, v4;
	v4 =	vand.u32 @!p0 $0x7, v5  }
0xc4: {  	v6 =	vmul.u32 @!p0 $0x8, v6;
	v4 =	vperm.xlane @!p0 v3, v4;
	_ =	sdelay $0x1  }
0xc5: {  	v4 =	vadd.s32 @!p0 v6, v4;
	_ =	sdelay $0x3  }
0xc6: {  	vm1 =	vmmov @!p0 $0xffff;
	s15 =	simm.s32 @!p0 $0x100;
	s0 =	simm.s32 @!p0 $0x0  }
0xc7: {  	v5 =	vor.u32 @!p0 $0x8, v5;
	[tilespmem:s15], [sflag:$0x1] =	stream.indirect_vreg.gather @!p0 [hbm4b:s2+s0], $0x80, v4, vm1, $0xb8;
	[tilespmem:$0x10100] =	vst v63  }
0xc8: {  	v3 =	vperm.xlane @!p0 v3, v5;
	s15 =	simm.s32 @!p0 $0x900  }
0xc9: {  	[tilespmem:s15], [sflag:$0x1] =	stream.indirect_vreg.gather @!p0 [hbm4b:s6+s0], $0x80, v4, vm1, $0xb8;
	[tilespmem:$0x10100] =	vst v63  }
0xca: {  	v3 =	vadd.s32 @!p0 v6, v3;
	s15 =	simm.s32 @!p0 $0x1100  }
0xcb: {  	[tilespmem:s15], [sflag:$0x1] =	stream.indirect_vreg.gather @!p0 [hbm4b:s7+s0], $0x80, v4, vm1, $0xb8;
	[tilespmem:$0x10100] =	vst v63  }
0xcc: {  	s15 =	simm.s32 @!p0 $0x1900  }
0xcd: {  	[tilespmem:s15], [sflag:$0x1] =	stream.indirect_vreg.gather @!p0 [hbm4b:s8+s0], $0x80, v4, vm1, $0xb8;
	[tilespmem:$0x10100] =	vst v63  }
0xce: {  	s15 =	simm.s32 @!p0 $0x2100  }
0xcf: {  	[tilespmem:s15], [sflag:$0x1] =	stream.indirect_vreg.gather @!p0 [hbm4b:s2+s0], $0x80, v3, vm1, $0xb8;
	[tilespmem:$0x10100] =	vst v63  }
0xd0: {  	s15 =	simm.s32 @!p0 $0x2900  }
0xd1: {  	[tilespmem:s15], [sflag:$0x1] =	stream.indirect_vreg.gather @!p0 [hbm4b:s6+s0], $0x80, v3, vm1, $0xb8;
	[tilespmem:$0x10100] =	vst v63  }
0xd2: {  	s15 =	simm.s32 @!p0 $0x3100  }
0xd3: {  	[tilespmem:s15], [sflag:$0x1] =	stream.indirect_vreg.gather @!p0 [hbm4b:s7+s0], $0x80, v3, vm1, $0xb8;
	[tilespmem:$0x10100] =	vst v63  }
0xd4: {  	s16 =	simm.s32 $0x0;
	s15 =	simm.s32 @!p0 $0x3900  }
0xd5: {  	[tilespmem:s15], [sflag:$0x1] =	stream.indirect_vreg.gather @!p0 [hbm4b:s8+s0], $0x80, v3, vm1, $0xb8;
	[tilespmem:$0x10100] =	vst v63  }
0xd6: {  	s23 =	sand.u32 $0x7000, s16;
	_ =	swait.ge [sflag:s20], $0x4000  }
0xd7: {  	s0 =	sand.u32 $0x380, s16;
	s15 =	sshrl.u32 s23, $0x2;
	[sflag:s20] =	ssyncset.done $0x0  }
0xd8: {  	s23 =	sor.u32 s0, s15;
	[sflag:s20] =	ssyncadd.s32 $0xFFFFC000  }
0xd9: {  	v3 =	vld [tilespmem:s23+$0x4100]  }
0xda: {  	v4 =	vld [tilespmem:s23+$0x4110]  }
0xdb: {  	v5 =	vld [tilespmem:s23+$0x4120]  }
0xdc: {  	v8 =	vld [tilespmem:s23+$0x4130]  }
0xdd: {  	s26 =	simm.s32 $0x1000;
	v9 =	vld [tilespmem:s23+$0x4140]  }
0xde: {  	s30 =	simm.s32 $0x10;
	s0 =	sand.u32 $0x7000, s26;
	v10 =	vld [tilespmem:s23+$0x4150];
	v3 =	vadd.f32 v3, v3  }
0xdf: {  	s15 =	sand.u32 $0x380, s30;
	s0 =	sshrl.u32 s0, $0x2;
	v11 =	vld [tilespmem:s23+$0x4160];
	v4 =	vadd.f32 v4, v4  }
0xe0: {  	s26 =	sor.u32 s15, s0;
	v12 =	vld [tilespmem:s23+$0x4170];
	[tilespmem:s23+$0x4100] =	vst v3;
	v3 =	vadd.f32 v5, v5  }
0xe1: {  	v5 =	vadd.f32 v8, v8;
	v6 =	vld [tilespmem:s26+$0x4100];
	[tilespmem:s23+$0x4110] =	vst v4  }
0xe2: {  	v8 =	vadd.f32 v9, v9;
	v7 =	vld [tilespmem:s26+$0x4110];
	[tilespmem:s23+$0x4120] =	vst v3  }
0xe3: {  	v9 =	vadd.f32 v10, v10;
	v4 =	vld [tilespmem:s26+$0x4120];
	[tilespmem:s23+$0x4130] =	vst v5  }
0xe4: {  	v3 =	vld [tilespmem:s26+$0x4130];
	[tilespmem:s23+$0x4140] =	vst v8;
	v8 =	vadd.f32 v11, v11  }
0xe5: {  	s28 =	simm.s32 $0x20;
	s0 =	simm.s32 $0x2000;
	v5 =	vld [tilespmem:s26+$0x4140];
	[tilespmem:s23+$0x4150] =	vst v9;
	v9 =	vadd.f32 v12, v12  }
.LBB2_7:
0xe6: {  	s15 =	sand.u32 $0x7000, s0;
	p1 =	sne.s32 s28, $0x3F0;
	v6 =	vadd.f32 v6, v6;
	v10 =	vld [tilespmem:s26+$0x4150];
	[tilespmem:s23+$0x4160] =	vst v8  }
0xe7: {  	s30 =	sand.u32 $0x380, s28;
	s15 =	sshrl.u32 s15, $0x2;
	v7 =	vadd.f32 v7, v7;
	v8 =	vld [tilespmem:s26+$0x4160];
	[tilespmem:s23+$0x4170] =	vst v9;
	s23 =	smov.u32 s26  }
0xe8: {  	s26 =	sor.u32 s30, s15;
	[tilespmem:s23+$0x4100] =	vst v6;
	v4 =	vadd.f32 v4, v4;
	v9 =	vld [tilespmem:s23+$0x4170]  }
.Ltmp2:
0xe9: {  	v6 =	vld [tilespmem:s26+$0x4100];
	[tilespmem:s23+$0x4110] =	vst v7;
	v3 =	vadd.f32 v3, v3;
	(pc) =	sbr.rel @p1 .LBB2_7-.Ltmp2, $4  }
0xea: {  	v7 =	vld [tilespmem:s26+$0x4110];
	[tilespmem:s23+$0x4120] =	vst v4;
	v5 =	vadd.f32 v5, v5  }
0xeb: {  	v4 =	vld [tilespmem:s26+$0x4120];
	[tilespmem:s23+$0x4130] =	vst v3;
	v10 =	vadd.f32 v10, v10  }
0xec: {  	v3 =	vld [tilespmem:s26+$0x4130];
	[tilespmem:s23+$0x4140] =	vst v5;
	v8 =	vadd.f32 v8, v8  }
0xed: {  	s0 =	sadd.s32 $0x1000, s0;
	s28 =	sadd.s32 $0x10, s28;
	v5 =	vld [tilespmem:s26+$0x4140];
	[tilespmem:s23+$0x4150] =	vst v10;
	v9 =	vadd.f32 v9, v9  }
0xee: {  	v10 =	vld [tilespmem:s26+$0x4150];
	[tilespmem:s23+$0x4160] =	vst v8;
	v6 =	vadd.f32 v6, v6  }
0xef: {  	v8 =	vld [tilespmem:s26+$0x4160];
	v7 =	vadd.f32 v7, v7;
	[tilespmem:s23+$0x4170] =	vst v9  }
0xf0: {  	[tilespmem:s26+$0x4100] =	vst v6;
	v4 =	vadd.f32 v4, v4;
	v6 =	vld [tilespmem:s26+$0x4170]  }
0xf1: {  	[tilespmem:s26+$0x4110] =	vst v7;
	v3 =	vadd.f32 v3, v3  }
0xf2: {  	[tilespmem:s26+$0x4120] =	vst v4;
	v4 =	vadd.f32 v5, v5  }
0xf3: {  	[tilespmem:s26+$0x4130] =	vst v3;
	v3 =	vadd.f32 v10, v10  }
0xf4: {  	[tilespmem:s26+$0x4140] =	vst v4;
	v4 =	vadd.f32 v8, v8  }
0xf5: {  	[tilespmem:s26+$0x4150] =	vst v3;
	v3 =	vadd.f32 v6, v6  }
0xf6: {  	s23 =	sor.u32 $0x800, s5;
	[tilespmem:s26+$0x4160] =	vst v4  }
0xf7: {  	s0 =	sadd.s32 s3, s23;
	[tilespmem:s26+$0x4170] =	vst v3;
	s26 =	simm.s32 $0x40000  }
0xf8: {  	[hbm4b:s0+s4] =	stream.linear.scatter [tilespmem:s24], [sflag:$0x6], $0x2000, $0x38;
	[tilespmem:$0x10100] =	vst v63  }
0xf9: {  	s15 =	simm.s32 $0x2000;
	s0 =	sand.u32 $0x7000, s26  }
0xfa: {  	s14 =	simm.s32 $0x400;
	s15 =	sand.u32 $0x2000, s15;
	s0 =	sshrl.u32 s0, $0x2  }
0xfb: {  	s26 =	sand.u32 $0x380, s14;
	s0 =	sor.u32 s0, s15  }
0xfc: {  	s26 =	sor.u32 s0, s26  }
0xfd: {  	v3 =	vld [tilespmem:s26+$0x4100];
	_ =	sdelay $0x1  }
0xfe: {  	v4 =	vld [tilespmem:s26+$0x4110]  }
0xff: {  	s15 =	simm.s32 $0x41000;
	v6 =	vld [tilespmem:s26+$0x4120]  }
0x100: {  	s16 =	simm.s32 $0x2080;
	s0 =	sand.u32 $0x7000, s15;
	v7 =	vld [tilespmem:s26+$0x4130]  }
0x101: {  	s28 =	simm.s32 $0x410;
	s15 =	sand.u32 $0x2000, s16;
	s0 =	sshrl.u32 s0, $0x2;
	v8 =	vld [tilespmem:s26+$0x4140];
	v3 =	vadd.f32 v3, v3  }
0x102: {  	s28 =	sand.u32 $0x380, s28;
	v9 =	vld [tilespmem:s26+$0x4150];
	s0 =	sor.u32 s0, s15  }
0x103: {  	v10 =	vld [tilespmem:s26+$0x4160];
	s28 =	sor.u32 s0, s28;
	v4 =	vadd.f32 v4, v4;
	[tilespmem:s26+$0x4100] =	vst v3  }
0x104: {  	v5 =	vld [tilespmem:s28+$0x4100]  }
0x105: {  	v3 =	vadd.f32 v6, v6;
	[tilespmem:s26+$0x4110] =	vst v4;
	v4 =	vadd.f32 v7, v7;
	v7 =	vld [tilespmem:s26+$0x4170];
	_ =	sdelay $0x1  }
0x106: {  	v8 =	vadd.f32 v8, v8;
	v6 =	vld [tilespmem:s28+$0x4110];
	[tilespmem:s26+$0x4120] =	vst v3  }
0x107: {  	v9 =	vadd.f32 v9, v9;
	v3 =	vld [tilespmem:s28+$0x4120];
	[tilespmem:s26+$0x4130] =	vst v4  }
0x108: {  	s30 =	simm.s32 $0x42000;
	s0 =	simm.s32 $0x42;
	v4 =	vld [tilespmem:s28+$0x4130];
	[tilespmem:s26+$0x4140] =	vst v8;
	v8 =	vadd.f32 v10, v10  }
.LBB2_9:
0x109: {  	s15 =	sand.u32 $0x7000, s30;
	s16 =	sshll.u32 s0, $0x7;
	p1 =	sne.s32 s0, $0x7F;
	v10 =	vld [tilespmem:s28+$0x4140];
	[tilespmem:s26+$0x4150] =	vst v9;
	v7 =	vadd.f32 v7, v7  }
0x10a: {  	s14 =	sshll.u32 s0, $0x4;
	s16 =	sand.u32 $0x2000, s16;
	s15 =	sshrl.u32 s15, $0x2;
	v5 =	vadd.f32 v5, v5;
	v9 =	vld [tilespmem:s28+$0x4150];
	[tilespmem:s26+$0x4160] =	vst v8  }
0x10b: {  	s14 =	sand.u32 $0x380, s14;
	s15 =	sor.u32 s15, s16;
	v6 =	vadd.f32 v6, v6;
	v8 =	vld [tilespmem:s28+$0x4160];
	[tilespmem:s26+$0x4170] =	vst v7;
	s26 =	smov.u32 s28  }
.Ltmp3:
0x10c: {  	s28 =	sor.u32 s15, s14;
	[tilespmem:s26+$0x4100] =	vst v5;
	v3 =	vadd.f32 v3, v3;
	v7 =	vld [tilespmem:s26+$0x4170];
	(pc) =	sbr.rel @p1 .LBB2_9-.Ltmp3, $4  }
0x10d: {  	v5 =	vld [tilespmem:s28+$0x4100];
	[tilespmem:s26+$0x4110] =	vst v6;
	v4 =	vadd.f32 v4, v4  }
0x10e: {  	v6 =	vld [tilespmem:s28+$0x4110];
	[tilespmem:s26+$0x4120] =	vst v3;
	v10 =	vadd.f32 v10, v10  }
0x10f: {  	v3 =	vld [tilespmem:s28+$0x4120];
	[tilespmem:s26+$0x4130] =	vst v4;
	v9 =	vadd.f32 v9, v9  }
0x110: {  	s30 =	sadd.s32 $0x1000, s30;
	s0 =	sadd.s32 $0x1, s0;
	v4 =	vld [tilespmem:s28+$0x4130];
	[tilespmem:s26+$0x4140] =	vst v10;
	v8 =	vadd.f32 v8, v8  }
0x111: {  	v10 =	vld [tilespmem:s28+$0x4140];
	[tilespmem:s26+$0x4150] =	vst v9;
	v7 =	vadd.f32 v7, v7  }
0x112: {  	v9 =	vld [tilespmem:s28+$0x4150];
	[tilespmem:s26+$0x4160] =	vst v8;
	v5 =	vadd.f32 v5, v5  }
0x113: {  	v8 =	vld [tilespmem:s28+$0x4160];
	v6 =	vadd.f32 v6, v6;
	[tilespmem:s26+$0x4170] =	vst v7  }
0x114: {  	[tilespmem:s28+$0x4100] =	vst v5;
	v3 =	vadd.f32 v3, v3;
	v5 =	vld [tilespmem:s28+$0x4170]  }
0x115: {  	[tilespmem:s28+$0x4110] =	vst v6;
	v4 =	vadd.f32 v4, v4  }
0x116: {  	[tilespmem:s28+$0x4120] =	vst v3;
	v3 =	vadd.f32 v10, v10  }
0x117: {  	[tilespmem:s28+$0x4130] =	vst v4;
	v4 =	vadd.f32 v9, v9  }
0x118: {  	[tilespmem:s28+$0x4140] =	vst v3;
	v3 =	vadd.f32 v8, v8  }
0x119: {  	[tilespmem:s28+$0x4150] =	vst v4;
	v4 =	vadd.f32 v5, v5  }
0x11a: {  	[tilespmem:s28+$0x4160] =	vst v3  }
0x11b: {  	s0 =	sadd.s32 s23, s10;
	[tilespmem:s28+$0x4170] =	vst v4  }
0x11c: {  	[hbm4b:s0+s4] =	stream.linear.scatter [tilespmem:s29], [sflag:$0x6], $0x2000, $0x38;
	[tilespmem:$0x10100] =	vst v63  }
0x11d: {  	s0 =	simm.s32 @!p0 $0x6  }
0x11e: {  	_ =	swait.ge @!p0 [sflag:s0], $0x4000  }
0x11f: {  	[sflag:s0] =	ssyncset.done @!p0 $0x0  }
0x120: {  	[sflag:s0] =	ssyncadd.s32 @!p0 $0xFFFFC000  }
0x121: {  	v3 =	vld @!p0 [tilespmem:s13+$0x50];
	_ =	sdelay $0x4  }
0x122: {  	v4 =	vshll.u32 @!p0 v3, $0x3  }
0x123: {  	v5 =	vlaneseq.u32 @!p0;
	v3 =	vand.u32 @!p0 $0x7, v3;
	v4 =	vand.u32 @!p0 $0xFFFFFFC0, v4  }
0x124: {  	v6 =	vshrl.u32 @!p0 v5, $0x3;
	v3 =	vor.u32 @!p0 v3, v4;
	v4 =	vand.u32 @!p0 $0x7, v5  }
0x125: {  	v6 =	vmul.u32 @!p0 $0x8, v6;
	v4 =	vperm.xlane @!p0 v3, v4;
	_ =	sdelay $0x1  }
0x126: {  	v4 =	vadd.s32 @!p0 v6, v4;
	_ =	sdelay $0x3  }
0x127: {  	s14 =	simm.s32 @!p0 $0x4100;
	s0 =	simm.s32 @!p0 $0x0  }
0x128: {  	v5 =	vor.u32 @!p0 $0x8, v5;
	[tilespmem:s14], [sflag:$0x2] =	stream.indirect_vreg.gather @!p0 [hbm4b:s2+s0], $0x80, v4, vm1, $0xb8;
	[tilespmem:$0x10100] =	vst v63  }
0x129: {  	v3 =	vperm.xlane @!p0 v3, v5;
	s14 =	simm.s32 @!p0 $0x4900  }
0x12a: {  	[tilespmem:s14], [sflag:$0x2] =	stream.indirect_vreg.gather @!p0 [hbm4b:s6+s0], $0x80, v4, vm1, $0xb8;
	[tilespmem:$0x10100] =	vst v63  }
0x12b: {  	v3 =	vadd.s32 @!p0 v6, v3;
	s14 =	simm.s32 @!p0 $0x5100  }
0x12c: {  	[tilespmem:s14], [sflag:$0x2] =	stream.indirect_vreg.gather @!p0 [hbm4b:s7+s0], $0x80, v4, vm1, $0xb8;
	[tilespmem:$0x10100] =	vst v63  }
0x12d: {  	s14 =	simm.s32 @!p0 $0x5900  }
0x12e: {  	[tilespmem:s14], [sflag:$0x2] =	stream.indirect_vreg.gather @!p0 [hbm4b:s8+s0], $0x80, v4, vm1, $0xb8;
	[tilespmem:$0x10100] =	vst v63  }
0x12f: {  	s14 =	simm.s32 @!p0 $0x6100  }
0x130: {  	[tilespmem:s14], [sflag:$0x2] =	stream.indirect_vreg.gather @!p0 [hbm4b:s2+s0], $0x80, v3, vm1, $0xb8;
	[tilespmem:$0x10100] =	vst v63  }
0x131: {  	s14 =	simm.s32 @!p0 $0x6900  }
0x132: {  	[tilespmem:s14], [sflag:$0x2] =	stream.indirect_vreg.gather @!p0 [hbm4b:s6+s0], $0x80, v3, vm1, $0xb8;
	[tilespmem:$0x10100] =	vst v63  }
0x133: {  	s14 =	simm.s32 @!p0 $0x7100  }
0x134: {  	[tilespmem:s14], [sflag:$0x2] =	stream.indirect_vreg.gather @!p0 [hbm4b:s7+s0], $0x80, v3, vm1, $0xb8;
	[tilespmem:$0x10100] =	vst v63  }
0x135: {  	s15 =	simm.s32 $0x0;
	s14 =	simm.s32 @!p0 $0x7900  }
0x136: {  	[tilespmem:s14], [sflag:$0x2] =	stream.indirect_vreg.gather @!p0 [hbm4b:s8+s0], $0x80, v3, vm1, $0xb8;
	[tilespmem:$0x10100] =	vst v63  }
0x137: {  	s16 =	sand.u32 $0x7000, s15;
	_ =	swait.ge [sflag:s21], $0x4000  }
0x138: {  	s0 =	sand.u32 $0x380, s15;
	s14 =	sshrl.u32 s16, $0x2;
	[sflag:s21] =	ssyncset.done $0x0  }
0x139: {  	s26 =	sor.u32 s0, s14;
	[sflag:s21] =	ssyncadd.s32 $0xFFFFC000  }
0x13a: {  	v3 =	vld [tilespmem:s26+$0x8100]  }
0x13b: {  	v4 =	vld [tilespmem:s26+$0x8110]  }
0x13c: {  	v5 =	vld [tilespmem:s26+$0x8120]  }
0x13d: {  	v8 =	vld [tilespmem:s26+$0x8130]  }
0x13e: {  	s23 =	simm.s32 $0x1000;
	v9 =	vld [tilespmem:s26+$0x8140]  }
0x13f: {  	s30 =	simm.s32 $0x10;
	s0 =	sand.u32 $0x7000, s23;
	v10 =	vld [tilespmem:s26+$0x8150];
	v3 =	vadd.f32 v3, v3  }
0x140: {  	s14 =	sand.u32 $0x380, s30;
	s0 =	sshrl.u32 s0, $0x2;
	v11 =	vld [tilespmem:s26+$0x8160];
	v4 =	vadd.f32 v4, v4  }
0x141: {  	s23 =	sor.u32 s14, s0;
	v12 =	vld [tilespmem:s26+$0x8170];
	[tilespmem:s26+$0x8100] =	vst v3;
	v3 =	vadd.f32 v5, v5  }
0x142: {  	v5 =	vadd.f32 v8, v8;
	v6 =	vld [tilespmem:s23+$0x8100];
	[tilespmem:s26+$0x8110] =	vst v4  }
0x143: {  	v8 =	vadd.f32 v9, v9;
	v7 =	vld [tilespmem:s23+$0x8110];
	[tilespmem:s26+$0x8120] =	vst v3  }
0x144: {  	v9 =	vadd.f32 v10, v10;
	v4 =	vld [tilespmem:s23+$0x8120];
	[tilespmem:s26+$0x8130] =	vst v5  }
0x145: {  	v3 =	vld [tilespmem:s23+$0x8130];
	[tilespmem:s26+$0x8140] =	vst v8;
	v8 =	vadd.f32 v11, v11  }
0x146: {  	s28 =	simm.s32 $0x20;
	s0 =	simm.s32 $0x2000;
	v5 =	vld [tilespmem:s23+$0x8140];
	[tilespmem:s26+$0x8150] =	vst v9;
	v9 =	vadd.f32 v12, v12  }
.LBB2_11:
0x147: {  	s14 =	sand.u32 $0x7000, s0;
	p1 =	sne.s32 s28, $0x3F0;
	v6 =	vadd.f32 v6, v6;
	v10 =	vld [tilespmem:s23+$0x8150];
	[tilespmem:s26+$0x8160] =	vst v8  }
0x148: {  	s15 =	sand.u32 $0x380, s28;
	s14 =	sshrl.u32 s14, $0x2;
	v7 =	vadd.f32 v7, v7;
	v8 =	vld [tilespmem:s23+$0x8160];
	[tilespmem:s26+$0x8170] =	vst v9;
	s26 =	smov.u32 s23  }
0x149: {  	s23 =	sor.u32 s15, s14;
	[tilespmem:s26+$0x8100] =	vst v6;
	v4 =	vadd.f32 v4, v4;
	v9 =	vld [tilespmem:s26+$0x8170]  }
.Ltmp4:
0x14a: {  	v6 =	vld [tilespmem:s23+$0x8100];
	[tilespmem:s26+$0x8110] =	vst v7;
	v3 =	vadd.f32 v3, v3;
	(pc) =	sbr.rel @p1 .LBB2_11-.Ltmp4, $4  }
0x14b: {  	v7 =	vld [tilespmem:s23+$0x8110];
	[tilespmem:s26+$0x8120] =	vst v4;
	v5 =	vadd.f32 v5, v5  }
0x14c: {  	v4 =	vld [tilespmem:s23+$0x8120];
	[tilespmem:s26+$0x8130] =	vst v3;
	v10 =	vadd.f32 v10, v10  }
0x14d: {  	v3 =	vld [tilespmem:s23+$0x8130];
	[tilespmem:s26+$0x8140] =	vst v5;
	v8 =	vadd.f32 v8, v8  }
0x14e: {  	s0 =	sadd.s32 $0x1000, s0;
	s28 =	sadd.s32 $0x10, s28;
	v5 =	vld [tilespmem:s23+$0x8140];
	[tilespmem:s26+$0x8150] =	vst v10;
	v9 =	vadd.f32 v9, v9  }
0x14f: {  	v10 =	vld [tilespmem:s23+$0x8150];
	[tilespmem:s26+$0x8160] =	vst v8;
	v6 =	vadd.f32 v6, v6  }
0x150: {  	v8 =	vld [tilespmem:s23+$0x8160];
	v7 =	vadd.f32 v7, v7;
	[tilespmem:s26+$0x8170] =	vst v9  }
0x151: {  	[tilespmem:s23+$0x8100] =	vst v6;
	v4 =	vadd.f32 v4, v4;
	v6 =	vld [tilespmem:s23+$0x8170]  }
0x152: {  	[tilespmem:s23+$0x8110] =	vst v7;
	v3 =	vadd.f32 v3, v3  }
0x153: {  	[tilespmem:s23+$0x8120] =	vst v4;
	v4 =	vadd.f32 v5, v5  }
0x154: {  	[tilespmem:s23+$0x8130] =	vst v3;
	v3 =	vadd.f32 v10, v10  }
0x155: {  	[tilespmem:s23+$0x8140] =	vst v4;
	v4 =	vadd.f32 v8, v8  }
0x156: {  	[tilespmem:s23+$0x8150] =	vst v3;
	v3 =	vadd.f32 v6, v6  }
0x157: {  	s5 =	sor.u32 $0x1000, s5;
	[tilespmem:s23+$0x8160] =	vst v4  }
0x158: {  	s15 =	simm.s32 $0x40000;
	s0 =	sadd.s32 s3, s5;
	[tilespmem:s23+$0x8170] =	vst v3  }
0x159: {  	[hbm4b:s0+s4] =	stream.linear.scatter [tilespmem:s1], [sflag:$0x7], $0x2000, $0x38;
	[tilespmem:$0x10100] =	vst v63  }
0x15a: {  	s14 =	simm.s32 $0x2000;
	s0 =	sand.u32 $0x7000, s15  }
0x15b: {  	s14 =	sand.u32 $0x2000, s14;
	s15 =	simm.s32 $0x400;
	s0 =	sshrl.u32 s0, $0x2  }
0x15c: {  	s15 =	sand.u32 $0x380, s15;
	s0 =	sor.u32 s0, s14  }
0x15d: {  	s23 =	sor.u32 s0, s15  }
0x15e: {  	v3 =	vld [tilespmem:s23+$0x8100];
	_ =	sdelay $0x1  }
0x15f: {  	v4 =	vld [tilespmem:s23+$0x8110]  }
0x160: {  	s16 =	simm.s32 $0x41000;
	v6 =	vld [tilespmem:s23+$0x8120]  }
0x161: {  	s26 =	simm.s32 $0x2080;
	s0 =	sand.u32 $0x7000, s16;
	v7 =	vld [tilespmem:s23+$0x8130]  }
0x162: {  	s30 =	simm.s32 $0x410;
	s14 =	sand.u32 $0x2000, s26;
	s0 =	sshrl.u32 s0, $0x2;
	v8 =	vld [tilespmem:s23+$0x8140];
	v3 =	vadd.f32 v3, v3  }
0x163: {  	s15 =	sand.u32 $0x380, s30;
	v9 =	vld [tilespmem:s23+$0x8150];
	s0 =	sor.u32 s0, s14  }
0x164: {  	v10 =	vld [tilespmem:s23+$0x8160];
	s26 =	sor.u32 s0, s15;
	v4 =	vadd.f32 v4, v4;
	[tilespmem:s23+$0x8100] =	vst v3  }
0x165: {  	v5 =	vld [tilespmem:s26+$0x8100]  }
0x166: {  	v3 =	vadd.f32 v6, v6;
	[tilespmem:s23+$0x8110] =	vst v4;
	v4 =	vadd.f32 v7, v7;
	v7 =	vld [tilespmem:s23+$0x8170];
	_ =	sdelay $0x1  }
0x167: {  	v8 =	vadd.f32 v8, v8;
	v6 =	vld [tilespmem:s26+$0x8110];
	[tilespmem:s23+$0x8120] =	vst v3  }
0x168: {  	v9 =	vadd.f32 v9, v9;
	v3 =	vld [tilespmem:s26+$0x8120];
	[tilespmem:s23+$0x8130] =	vst v4  }
0x169: {  	s28 =	simm.s32 $0x42000;
	s0 =	simm.s32 $0x42;
	v4 =	vld [tilespmem:s26+$0x8130];
	[tilespmem:s23+$0x8140] =	vst v8;
	v8 =	vadd.f32 v10, v10  }
.LBB2_13:
0x16a: {  	s14 =	sand.u32 $0x7000, s28;
	s15 =	sshll.u32 s0, $0x7;
	p1 =	sne.s32 s0, $0x7F;
	v10 =	vld [tilespmem:s26+$0x8140];
	[tilespmem:s23+$0x8150] =	vst v9;
	v7 =	vadd.f32 v7, v7  }
0x16b: {  	s16 =	sshll.u32 s0, $0x4;
	s15 =	sand.u32 $0x2000, s15;
	s14 =	sshrl.u32 s14, $0x2;
	v5 =	vadd.f32 v5, v5;
	v9 =	vld [tilespmem:s26+$0x8150];
	[tilespmem:s23+$0x8160] =	vst v8  }
0x16c: {  	s16 =	sand.u32 $0x380, s16;
	s14 =	sor.u32 s14, s15;
	v6 =	vadd.f32 v6, v6;
	v8 =	vld [tilespmem:s26+$0x8160];
	[tilespmem:s23+$0x8170] =	vst v7;
	s23 =	smov.u32 s26  }
.Ltmp5:
0x16d: {  	s26 =	sor.u32 s14, s16;
	[tilespmem:s23+$0x8100] =	vst v5;
	v3 =	vadd.f32 v3, v3;
	v7 =	vld [tilespmem:s23+$0x8170];
	(pc) =	sbr.rel @p1 .LBB2_13-.Ltmp5, $4  }
0x16e: {  	v5 =	vld [tilespmem:s26+$0x8100];
	[tilespmem:s23+$0x8110] =	vst v6;
	v4 =	vadd.f32 v4, v4  }
0x16f: {  	v6 =	vld [tilespmem:s26+$0x8110];
	[tilespmem:s23+$0x8120] =	vst v3;
	v10 =	vadd.f32 v10, v10  }
0x170: {  	v3 =	vld [tilespmem:s26+$0x8120];
	[tilespmem:s23+$0x8130] =	vst v4;
	v9 =	vadd.f32 v9, v9  }
0x171: {  	s28 =	sadd.s32 $0x1000, s28;
	s0 =	sadd.s32 $0x1, s0;
	v4 =	vld [tilespmem:s26+$0x8130];
	[tilespmem:s23+$0x8140] =	vst v10;
	v8 =	vadd.f32 v8, v8  }
0x172: {  	v10 =	vld [tilespmem:s26+$0x8140];
	[tilespmem:s23+$0x8150] =	vst v9;
	v7 =	vadd.f32 v7, v7  }
0x173: {  	v9 =	vld [tilespmem:s26+$0x8150];
	[tilespmem:s23+$0x8160] =	vst v8;
	v5 =	vadd.f32 v5, v5  }
0x174: {  	v8 =	vld [tilespmem:s26+$0x8160];
	v6 =	vadd.f32 v6, v6;
	[tilespmem:s23+$0x8170] =	vst v7  }
0x175: {  	[tilespmem:s26+$0x8100] =	vst v5;
	v3 =	vadd.f32 v3, v3;
	v5 =	vld [tilespmem:s26+$0x8170]  }
0x176: {  	[tilespmem:s26+$0x8110] =	vst v6;
	v4 =	vadd.f32 v4, v4  }
0x177: {  	[tilespmem:s26+$0x8120] =	vst v3;
	v3 =	vadd.f32 v10, v10  }
0x178: {  	[tilespmem:s26+$0x8130] =	vst v4;
	v4 =	vadd.f32 v9, v9  }
0x179: {  	[tilespmem:s26+$0x8140] =	vst v3;
	v3 =	vadd.f32 v8, v8  }
0x17a: {  	[tilespmem:s26+$0x8150] =	vst v4;
	v4 =	vadd.f32 v5, v5  }
0x17b: {  	[tilespmem:s26+$0x8160] =	vst v3  }
0x17c: {  	s0 =	sadd.s32 s5, s10;
	[tilespmem:s26+$0x8170] =	vst v4  }
0x17d: {  	[hbm4b:s0+s4] =	stream.linear.scatter [tilespmem:s19], [sflag:$0x7], $0x2000, $0x38;
	[tilespmem:$0x10100] =	vst v63  }
0x17e: {  	s0 =	simm.s32 @!p0 $0x7  }
0x17f: {  	_ =	swait.ge @!p0 [sflag:s0], $0x4000  }
0x180: {  	[sflag:s0] =	ssyncset.done @!p0 $0x0  }
0x181: {  	[sflag:s0] =	ssyncadd.s32 @!p0 $0xFFFFC000  }
0x182: {  	v3 =	vld @!p0 [tilespmem:s13+$0x60];
	_ =	sdelay $0x4  }
0x183: {  	v4 =	vshll.u32 @!p0 v3, $0x3  }
0x184: {  	v5 =	vlaneseq.u32 @!p0;
	v3 =	vand.u32 @!p0 $0x7, v3;
	v4 =	vand.u32 @!p0 $0xFFFFFFC0, v4  }
0x185: {  	v6 =	vshrl.u32 @!p0 v5, $0x3;
	v3 =	vor.u32 @!p0 v3, v4;
	v4 =	vand.u32 @!p0 $0x7, v5  }
0x186: {  	v6 =	vmul.u32 @!p0 $0x8, v6;
	v4 =	vperm.xlane @!p0 v3, v4;
	_ =	sdelay $0x1  }
0x187: {  	v4 =	vadd.s32 @!p0 v6, v4;
	_ =	sdelay $0x3  }
0x188: {  	s5 =	simm.s32 @!p0 $0x8100;
	s0 =	simm.s32 @!p0 $0x0  }
0x189: {  	v5 =	vor.u32 @!p0 $0x8, v5;
	[tilespmem:s5], [sflag:$0x3] =	stream.indirect_vreg.gather @!p0 [hbm4b:s2+s0], $0x80, v4, vm1, $0xb8;
	[tilespmem:$0x10100] =	vst v63  }
0x18a: {  	v3 =	vperm.xlane @!p0 v3, v5;
	s5 =	simm.s32 @!p0 $0x8900  }
0x18b: {  	[tilespmem:s5], [sflag:$0x3] =	stream.indirect_vreg.gather @!p0 [hbm4b:s6+s0], $0x80, v4, vm1, $0xb8;
	[tilespmem:$0x10100] =	vst v63  }
0x18c: {  	v3 =	vadd.s32 @!p0 v6, v3;
	s5 =	simm.s32 @!p0 $0x9100  }
0x18d: {  	[tilespmem:s5], [sflag:$0x3] =	stream.indirect_vreg.gather @!p0 [hbm4b:s7+s0], $0x80, v4, vm1, $0xb8;
	[tilespmem:$0x10100] =	vst v63  }
0x18e: {  	s5 =	simm.s32 @!p0 $0x9900  }
0x18f: {  	[tilespmem:s5], [sflag:$0x3] =	stream.indirect_vreg.gather @!p0 [hbm4b:s8+s0], $0x80, v4, vm1, $0xb8;
	[tilespmem:$0x10100] =	vst v63  }
0x190: {  	s5 =	simm.s32 @!p0 $0xA100  }
0x191: {  	[tilespmem:s5], [sflag:$0x3] =	stream.indirect_vreg.gather @!p0 [hbm4b:s2+s0], $0x80, v3, vm1, $0xb8;
	[tilespmem:$0x10100] =	vst v63  }
0x192: {  	s5 =	simm.s32 @!p0 $0xA900  }
0x193: {  	[tilespmem:s5], [sflag:$0x3] =	stream.indirect_vreg.gather @!p0 [hbm4b:s6+s0], $0x80, v3, vm1, $0xb8;
	[tilespmem:$0x10100] =	vst v63  }
0x194: {  	s5 =	simm.s32 @!p0 $0xB100  }
0x195: {  	[tilespmem:s5], [sflag:$0x3] =	stream.indirect_vreg.gather @!p0 [hbm4b:s7+s0], $0x80, v3, vm1, $0xb8;
	[tilespmem:$0x10100] =	vst v63  }
0x196: {  	s23 =	simm.s32 $0x0;
	s5 =	simm.s32 @!p0 $0xB900  }
0x197: {  	[tilespmem:s5], [sflag:$0x3] =	stream.indirect_vreg.gather @!p0 [hbm4b:s8+s0], $0x80, v3, vm1, $0xb8;
	[tilespmem:$0x10100] =	vst v63  }
0x198: {  	s26 =	sand.u32 $0x7000, s23;
	_ =	swait.ge [sflag:s22], $0x4000  }
0x199: {  	s0 =	sand.u32 $0x380, s23;
	s5 =	sshrl.u32 s26, $0x2;
	[sflag:s22] =	ssyncset.done $0x0  }
0x19a: {  	s5 =	sor.u32 s0, s5;
	[sflag:s22] =	ssyncadd.s32 $0xFFFFC000  }
0x19b: {  	v3 =	vld [tilespmem:s5+$0xC100]  }
0x19c: {  	v4 =	vld [tilespmem:s5+$0xC110]  }
0x19d: {  	v5 =	vld [tilespmem:s5+$0xC120]  }
0x19e: {  	v8 =	vld [tilespmem:s5+$0xC130]  }
0x19f: {  	s28 =	simm.s32 $0x1000;
	v9 =	vld [tilespmem:s5+$0xC140]  }
0x1a0: {  	s30 =	simm.s32 $0x10;
	s0 =	sand.u32 $0x7000, s28;
	v10 =	vld [tilespmem:s5+$0xC150];
	v3 =	vadd.f32 v3, v3  }
0x1a1: {  	s13 =	sand.u32 $0x380, s30;
	s0 =	sshrl.u32 s0, $0x2;
	v11 =	vld [tilespmem:s5+$0xC160];
	v4 =	vadd.f32 v4, v4  }
0x1a2: {  	s13 =	sor.u32 s13, s0;
	v12 =	vld [tilespmem:s5+$0xC170];
	[tilespmem:s5+$0xC100] =	vst v3;
	v3 =	vadd.f32 v5, v5  }
0x1a3: {  	v5 =	vadd.f32 v8, v8;
	v6 =	vld [tilespmem:s13+$0xC100];
	[tilespmem:s5+$0xC110] =	vst v4  }
0x1a4: {  	v8 =	vadd.f32 v9, v9;
	v7 =	vld [tilespmem:s13+$0xC110];
	[tilespmem:s5+$0xC120] =	vst v3  }
0x1a5: {  	v9 =	vadd.f32 v10, v10;
	v4 =	vld [tilespmem:s13+$0xC120];
	[tilespmem:s5+$0xC130] =	vst v5  }
0x1a6: {  	v3 =	vld [tilespmem:s13+$0xC130];
	[tilespmem:s5+$0xC140] =	vst v8;
	v8 =	vadd.f32 v11, v11  }
0x1a7: {  	s23 =	simm.s32 $0x20;
	s0 =	simm.s32 $0x2000;
	v5 =	vld [tilespmem:s13+$0xC140];
	[tilespmem:s5+$0xC150] =	vst v9;
	v9 =	vadd.f32 v12, v12  }
.LBB2_15:
0x1a8: {  	s14 =	sand.u32 $0x7000, s0;
	p0 =	sne.s32 s23, $0x3F0;
	v6 =	vadd.f32 v6, v6;
	v10 =	vld [tilespmem:s13+$0xC150];
	[tilespmem:s5+$0xC160] =	vst v8  }
0x1a9: {  	s15 =	sand.u32 $0x380, s23;
	s14 =	sshrl.u32 s14, $0x2;
	v7 =	vadd.f32 v7, v7;
	v8 =	vld [tilespmem:s13+$0xC160];
	[tilespmem:s5+$0xC170] =	vst v9;
	s5 =	smov.u32 s13  }
0x1aa: {  	s13 =	sor.u32 s15, s14;
	[tilespmem:s5+$0xC100] =	vst v6;
	v4 =	vadd.f32 v4, v4;
	v9 =	vld [tilespmem:s5+$0xC170]  }
.Ltmp6:
0x1ab: {  	v6 =	vld [tilespmem:s13+$0xC100];
	[tilespmem:s5+$0xC110] =	vst v7;
	v3 =	vadd.f32 v3, v3;
	(pc) =	sbr.rel @p0 .LBB2_15-.Ltmp6, $4  }
0x1ac: {  	v7 =	vld [tilespmem:s13+$0xC110];
	[tilespmem:s5+$0xC120] =	vst v4;
	v5 =	vadd.f32 v5, v5  }
0x1ad: {  	v4 =	vld [tilespmem:s13+$0xC120];
	[tilespmem:s5+$0xC130] =	vst v3;
	v10 =	vadd.f32 v10, v10  }
0x1ae: {  	v3 =	vld [tilespmem:s13+$0xC130];
	[tilespmem:s5+$0xC140] =	vst v5;
	v8 =	vadd.f32 v8, v8  }
0x1af: {  	s0 =	sadd.s32 $0x1000, s0;
	s23 =	sadd.s32 $0x10, s23;
	v5 =	vld [tilespmem:s13+$0xC140];
	[tilespmem:s5+$0xC150] =	vst v10;
	v9 =	vadd.f32 v9, v9  }
0x1b0: {  	v10 =	vld [tilespmem:s13+$0xC150];
	[tilespmem:s5+$0xC160] =	vst v8;
	v6 =	vadd.f32 v6, v6  }
0x1b1: {  	v8 =	vld [tilespmem:s13+$0xC160];
	v7 =	vadd.f32 v7, v7;
	[tilespmem:s5+$0xC170] =	vst v9  }
0x1b2: {  	[tilespmem:s13+$0xC100] =	vst v6;
	v4 =	vadd.f32 v4, v4;
	v6 =	vld [tilespmem:s13+$0xC170]  }
0x1b3: {  	[tilespmem:s13+$0xC110] =	vst v7;
	v3 =	vadd.f32 v3, v3  }
0x1b4: {  	[tilespmem:s13+$0xC120] =	vst v4;
	v4 =	vadd.f32 v5, v5  }
0x1b5: {  	[tilespmem:s13+$0xC130] =	vst v3;
	v3 =	vadd.f32 v10, v10  }
0x1b6: {  	[tilespmem:s13+$0xC140] =	vst v4;
	v4 =	vadd.f32 v8, v8  }
0x1b7: {  	s0 =	sshll.u32 s12, $0xB;
	[tilespmem:s13+$0xC150] =	vst v3;
	v3 =	vadd.f32 v6, v6  }
0x1b8: {  	s5 =	sadd.s32 s11, s0;
	[tilespmem:s13+$0xC160] =	vst v4  }
0x1b9: {  	s16 =	simm.s32 $0x40000;
	s0 =	sadd.s32 s3, s5;
	[tilespmem:s13+$0xC170] =	vst v3  }
0x1ba: {  	[hbm4b:s0+s4] =	stream.linear.scatter [tilespmem:s25], [sflag:$0x8], $0x2000, $0x38;
	[tilespmem:$0x10100] =	vst v63  }
0x1bb: {  	s23 =	simm.s32 $0x2000;
	s0 =	sand.u32 $0x7000, s16  }
0x1bc: {  	s26 =	simm.s32 $0x400;
	s12 =	sand.u32 $0x2000, s23;
	s0 =	sshrl.u32 s0, $0x2  }
0x1bd: {  	s13 =	sand.u32 $0x380, s26;
	s0 =	sor.u32 s0, s12  }
0x1be: {  	s12 =	sor.u32 s0, s13  }
0x1bf: {  	v3 =	vld [tilespmem:s12+$0xC100];
	_ =	sdelay $0x1  }
0x1c0: {  	v4 =	vld [tilespmem:s12+$0xC110]  }
0x1c1: {  	s28 =	simm.s32 $0x41000;
	v6 =	vld [tilespmem:s12+$0xC120]  }
0x1c2: {  	s30 =	simm.s32 $0x2080;
	s0 =	sand.u32 $0x7000, s28;
	v7 =	vld [tilespmem:s12+$0xC130]  }
0x1c3: {  	s14 =	simm.s32 $0x410;
	s13 =	sand.u32 $0x2000, s30;
	s0 =	sshrl.u32 s0, $0x2;
	v8 =	vld [tilespmem:s12+$0xC140];
	v3 =	vadd.f32 v3, v3  }
0x1c4: {  	s14 =	sand.u32 $0x380, s14;
	v9 =	vld [tilespmem:s12+$0xC150];
	s0 =	sor.u32 s0, s13  }
0x1c5: {  	v10 =	vld [tilespmem:s12+$0xC160];
	s13 =	sor.u32 s0, s14;
	v4 =	vadd.f32 v4, v4;
	[tilespmem:s12+$0xC100] =	vst v3  }
0x1c6: {  	v5 =	vld [tilespmem:s13+$0xC100]  }
0x1c7: {  	v3 =	vadd.f32 v6, v6;
	[tilespmem:s12+$0xC110] =	vst v4;
	v4 =	vadd.f32 v7, v7;
	v7 =	vld [tilespmem:s12+$0xC170];
	_ =	sdelay $0x1  }
0x1c8: {  	v8 =	vadd.f32 v8, v8;
	v6 =	vld [tilespmem:s13+$0xC110];
	[tilespmem:s12+$0xC120] =	vst v3  }
0x1c9: {  	v9 =	vadd.f32 v9, v9;
	v3 =	vld [tilespmem:s13+$0xC120];
	[tilespmem:s12+$0xC130] =	vst v4  }
0x1ca: {  	s23 =	simm.s32 $0x42000;
	s0 =	simm.s32 $0x42;
	v4 =	vld [tilespmem:s13+$0xC130];
	[tilespmem:s12+$0xC140] =	vst v8;
	v8 =	vadd.f32 v10, v10  }
.LBB2_17:
0x1cb: {  	s14 =	sand.u32 $0x7000, s23;
	s15 =	sshll.u32 s0, $0x7;
	p0 =	sne.s32 s0, $0x7F;
	v10 =	vld [tilespmem:s13+$0xC140];
	[tilespmem:s12+$0xC150] =	vst v9;
	v7 =	vadd.f32 v7, v7  }
0x1cc: {  	s16 =	sshll.u32 s0, $0x4;
	s15 =	sand.u32 $0x2000, s15;
	s14 =	sshrl.u32 s14, $0x2;
	v5 =	vadd.f32 v5, v5;
	v9 =	vld [tilespmem:s13+$0xC150];
	[tilespmem:s12+$0xC160] =	vst v8  }
0x1cd: {  	s16 =	sand.u32 $0x380, s16;
	s14 =	sor.u32 s14, s15;
	v6 =	vadd.f32 v6, v6;
	v8 =	vld [tilespmem:s13+$0xC160];
	[tilespmem:s12+$0xC170] =	vst v7;
	s12 =	smov.u32 s13  }
.Ltmp7:
0x1ce: {  	s13 =	sor.u32 s14, s16;
	[tilespmem:s12+$0xC100] =	vst v5;
	v3 =	vadd.f32 v3, v3;
	v7 =	vld [tilespmem:s12+$0xC170];
	(pc) =	sbr.rel @p0 .LBB2_17-.Ltmp7, $4  }
0x1cf: {  	v5 =	vld [tilespmem:s13+$0xC100];
	[tilespmem:s12+$0xC110] =	vst v6;
	v4 =	vadd.f32 v4, v4  }
0x1d0: {  	v6 =	vld [tilespmem:s13+$0xC110];
	[tilespmem:s12+$0xC120] =	vst v3;
	v10 =	vadd.f32 v10, v10  }
0x1d1: {  	v3 =	vld [tilespmem:s13+$0xC120];
	[tilespmem:s12+$0xC130] =	vst v4;
	v9 =	vadd.f32 v9, v9  }
0x1d2: {  	s23 =	sadd.s32 $0x1000, s23;
	s0 =	sadd.s32 $0x1, s0;
	v4 =	vld [tilespmem:s13+$0xC130];
	[tilespmem:s12+$0xC140] =	vst v10;
	v8 =	vadd.f32 v8, v8  }
0x1d3: {  	v10 =	vld [tilespmem:s13+$0xC140];
	[tilespmem:s12+$0xC150] =	vst v9;
	v7 =	vadd.f32 v7, v7  }
0x1d4: {  	v9 =	vld [tilespmem:s13+$0xC150];
	[tilespmem:s12+$0xC160] =	vst v8;
	v5 =	vadd.f32 v5, v5  }
0x1d5: {  	v8 =	vld [tilespmem:s13+$0xC160];
	v6 =	vadd.f32 v6, v6;
	[tilespmem:s12+$0xC170] =	vst v7  }
0x1d6: {  	[tilespmem:s13+$0xC100] =	vst v5;
	v3 =	vadd.f32 v3, v3;
	v61 =	vld [tilespmem:s13+$0xC170]  }
0x1d7: {  	[tilespmem:s13+$0xC110] =	vst v6;
	v4 =	vadd.f32 v4, v4  }
0x1d8: {  	s9 =	sadd.s32 $0x1, s9;
	[tilespmem:s13+$0xC120] =	vst v3;
	v3 =	vadd.f32 v10, v10  }
0x1d9: {  	p0 =	sne.s32 s9, $0x4;
	[tilespmem:s13+$0xC130] =	vst v4;
	v62 =	vadd.f32 v9, v9  }
.Ltmp8:
0x1da: {  	[tilespmem:s13+$0xC140] =	vst v3;
	v3 =	vadd.f32 v8, v8;
	(pc) =	sbr.rel @p0 .LBB2_2-.Ltmp8, $4  }
0x1db: {  	[tilespmem:s13+$0xC150] =	vst v62;
	v63 =	vadd.f32 v61, v61  }
0x1dc: {  	[tilespmem:s13+$0xC160] =	vst v3  }
0x1dd: {  	s0 =	sadd.s32 s5, s10;
	[tilespmem:s13+$0xC170] =	vst v63  }
0x1de: {  	[hbm4b:s0+s4] =	stream.linear.scatter [tilespmem:s31], [sflag:$0x8], $0x2000, $0x38;
	[tilespmem:$0x10100] =	vst v63  }
0x1df: {  	s0 =	simm.s32 $0x5  }
0x1e0: {  	_ =	swait.ge [sflag:s0], $0x4000  }
0x1e1: {  	[sflag:s0] =	ssyncset.done $0x0  }
0x1e2: {  	s26 =	simm.s32 $0x6;
	[sflag:s0] =	ssyncadd.s32 $0xFFFFC000  }
0x1e3: {  	_ =	swait.ge [sflag:s26], $0x4000  }
0x1e4: {  	[sflag:s26] =	ssyncset.done $0x0  }
0x1e5: {  	s28 =	simm.s32 $0x7;
	[sflag:s26] =	ssyncadd.s32 $0xFFFFC000  }
0x1e6: {  	_ =	swait.ge [sflag:s28], $0x4000  }
0x1e7: {  	[sflag:s28] =	ssyncset.done $0x0  }
0x1e8: {  	s5 =	simm.s32 $0x8;
	[sflag:s28] =	ssyncadd.s32 $0xFFFFC000  }
0x1e9: {  	_ =	swait.ge [sflag:s5], $0x4000  }
0x1ea: {  	s9 =	rddreg [dreg:$0x7]  }
0x1eb: {  	s30 =	rddreg [dreg:$0x6];
	s9 =	sadd.s32 $0x1, s9  }
0x1ec: {  	p0 =	sne.s32 s9, s30  }
.Ltmp9:
0x1ed: {  	_ = 	snop;
	(pc) =	sbr.rel @p0 .LBB2_1-.Ltmp9, $3  }
0x1ee: {  	_ =	sdelay $0x1  }
0x1ef: {  	[sflag:s5] =	ssyncset.done $0x0  }
0x1f0: {  	[sflag:s5] =	ssyncadd.s32 $0xFFFFC000  }
0x1f1: {  	_ =	sfence.sel $0x180000  }
0x1f2: {  	[bflag:$0x0] =	sbarrier.arrive $0xFFFF  }
0x1f3: {  	_ =	strace $0x90000047  }
0x1f4: {  	s0 =	stileid.u32;
	[bflag:$0x2] =	sbarrier.arrive $0xFFFF  }
0x1f5: {  	p0 =	sne.s32 s0, $0x0;
	s0 =	rddreg [dreg:$0x3]  }
0x1f6: {  	s0 =	sadd.s32 @!p0 $0x100000, s0  }
0x1f7: {  	[sflag:s0] =	ssyncadd.tile.s32 @!p0 $0x1;
	_ =	shalt  }
.Lfunc_end2:
_tile_overlayer_lowered:
.L_overlay_start_2:
0x1f8: {  	(tag) =	ssettag $0x2  }
0x1f9: {  	s0 =	rddreg [dreg:$0x0];
	s2 =	stileid.u32  }
0x1fa: {  	s1 =	rddreg [dreg:$0x1];
	p0 =	sne.s32 s2, $0x0  }
0x1fb: {  	s3 =	rddreg [dreg:$0x2];
	[bflag:$0x3] =	sbarrier.arrive $0xFFFF;
	s2 =	simm.s32 @!p0 $0x1C0A  }
0x1fc: {  	[timem:s3], [sflag:s2] =	dma.local @!p0 [hbm:s0], s1  }
0x1fd: {  	s0 =	simm.s32 @!p0 $0xA  }
0x1fe: {  	_ =	swait.ge @!p0 [sflag:s0], s1  }
0x1ff: {  	s1 =	ssub.s32 @!p0 $0x0, s1;
	[sflag:s0] =	ssyncset.done @!p0 $0x0  }
0x200: {  	[sflag:s0] =	ssyncadd.s32 @!p0 s1  }
0x201: {  	[bflag:$0x3] =	sbarrier.arrive $0xFFFF  }
0x202: {  	_ =	shalt  }

</sc_bundles>
